<compile_context>
chip_gen: v7x
topology: tpu7x:2x2x1
jax: 0.10.2.dev20260603
libtpu: 0.0.44.dev20260713+nightly
codegen_flags: <defaults>
</compile_context>

<pallas_src>
import functools

import jax
import jax.numpy as jnp
from jax import lax
from jax.experimental import pallas as pl
from jax.experimental.pallas import tpu as pltpu
from jax.experimental.pallas import tpu_sc as plsc

_L = 16
_NC = 2
_NS = 16
_NW = _NC * _NS

_EF = 1.5
_TS = 256.0
_ML = 3.0


def _floorv(v):
  t = v.astype(jnp.int32).astype(jnp.float32)
  return jnp.where(t > v, t - 1.0, t)


def _ceilv(v):
  t = v.astype(jnp.int32).astype(jnp.float32)
  return jnp.where(t < v, t + 1.0, t)


def _align16(x, y, bw, bh, H, W):
  w = _ceilv(bw * _EF)
  h = _ceilv(bh * _EF)
  ix = _floorv(x - w * 0.5)
  cx = ix < 0.0
  w = jnp.where(cx, w + ix, w)
  ix = jnp.where(cx, 0.0, ix)
  iy = _floorv(y - h * 0.5)
  cy = iy < 0.0
  h = jnp.where(cy, h + iy, h)
  iy = jnp.where(cy, 0.0, iy)
  w = jnp.maximum(w, _ML)
  h = jnp.maximum(h, _ML)
  iw = W - ix
  iw = jnp.where(w < iw, w, iw)
  ih = H - iy
  ih = jnp.where(h < ih, h, ih)
  sx = iw < _ML
  iw = jnp.where(sx, _ML, iw)
  ix = jnp.where(sx, W - _ML, ix)
  sy = ih < _ML
  ih = jnp.where(sy, _ML, ih)
  iy = jnp.where(sy, H - _ML, iy)
  th = jnp.maximum(_TS * ih / iw, _TS)
  tw = jnp.maximum(_TS * iw / ih, _TS)
  return ix, iy, iw, ih, tw, th


@functools.lru_cache(maxsize=None)
def _make_sc_kernel(n, bpw, H, W):
  ngroups = bpw // _L
  mesh = plsc.VectorSubcoreMesh(core_axis_name="c", subcore_axis_name="s",
                                num_cores=_NC)
  out_t = tuple(jax.ShapeDtypeStruct((n,), jnp.float32) for _ in range(6))
  scratch = ([pltpu.VMEM((bpw,), jnp.float32) for _ in range(10)]
             + [pltpu.SemaphoreType.DMA])

  @functools.partial(pl.kernel, mesh=mesh, out_type=out_t,
                     scratch_types=scratch)
  def k(x_h, y_h, w_h, h_h, ox_h, oy_h, ow_h, oh_h, otw_h, oth_h,
        xb, yb, wb, hb, ox, oy, ow, oh, otw, oth, sem):
    wid = lax.axis_index("s") * _NC + lax.axis_index("c")
    base = jnp.minimum(wid * bpw, n - bpw)
    base = pl.multiple_of(base, 8)
    src = pl.ds(base, bpw)
    cin = [pltpu.async_copy(h_ref.at[src], v_ref, sem)
           for h_ref, v_ref in ((x_h, xb), (y_h, yb), (w_h, wb), (h_h, hb))]
    for c in cin:
      c.wait()

    @plsc.parallel_loop(0, ngroups * _L, step=_L, unroll=4)
    def body(b):
      s = pl.ds(b, _L)
      ix, iy, iw, ih, tw, th = _align16(xb[s], yb[s], wb[s], hb[s], H, W)
      ox[s] = ix
      oy[s] = iy
      ow[s] = iw
      oh[s] = ih
      otw[s] = tw
      oth[s] = th

    cout = [pltpu.async_copy(v_ref, h_ref.at[src], sem)
            for v_ref, h_ref in ((ox, ox_h), (oy, oy_h), (ow, ow_h),
                                 (oh, oh_h), (otw, otw_h), (oth, oth_h))]
    for c in cout:
      c.wait()

  return k


def kernel(img, bbs):
  H = float(img.shape[2])
  W = float(img.shape[3])
  n = bbs.shape[0]
  chunk = _NW * _L
  bpw = (-(-n // chunk)) * _L
  assert n % 8 == 0 and n >= bpw
  k = _make_sc_kernel(n, bpw, H, W)
  return k(bbs[:, 0], bbs[:, 1], bbs[:, 2], bbs[:, 3])

# --- scband reference (transcript-rebuilt; emitter-appended) ---
"""Pipeline reference for scband-module-11879879542999 (READ-ONLY COPY).

The authoritative reference and input builder live on the scoring server;
editing this copy changes nothing except your own understanding.
"""

import jax, jax.numpy as jnp
import numpy as np


def _align_box(im_h, im_w, bbs, enlargement_factor, target_size, min_len, align='SHORTEST'):
    zero = jnp.float32(0.0)
    w = jnp.ceil(bbs[:, 2] * enlargement_factor)
    h = jnp.ceil(bbs[:, 3] * enlargement_factor)
    input_x = jnp.floor(bbs[:, 0] - w / 2)
    cond = input_x < 0
    # torch.scatter at nonzero(cond) positions == masked where
    w = jnp.where(cond, w + input_x, w)
    input_x = jnp.where(cond, zero, input_x)
    input_y = jnp.floor(bbs[:, 1] - h / 2)
    cond = input_y < 0
    h = jnp.where(cond, h + input_y, h)
    input_y = jnp.where(cond, zero, input_y)
    w = jnp.maximum(w, min_len)
    h = jnp.maximum(h, min_len)
    input_width = im_w - input_x
    input_width = jnp.where(w < input_width, w, input_width)
    input_height = im_h - input_y
    input_height = jnp.where(h < input_height, h, input_height)
    idx = input_width < min_len
    input_width = jnp.where(idx, min_len, input_width)
    input_x = jnp.where(idx, im_w - min_len, input_x)
    idx = input_height < min_len
    input_height = jnp.where(idx, min_len, input_height)
    input_y = jnp.where(idx, im_h - min_len, input_y)
    target_width = jnp.full_like(input_width, target_size)
    target_height = jnp.full_like(input_height, target_size)
    if align == 'SHORTEST':
        nidx = input_width > input_height
        sidx = ~nidx
        target_height = jnp.where(sidx, target_size * input_height / input_width, target_height)
        target_width = jnp.where(nidx, target_size * input_width / input_height, target_width)
    elif align == 'LONGEST':
        lidx = input_width > input_height
        nlidx = ~lidx
        target_height = jnp.where(lidx, target_size * input_height / input_width, target_height)
        target_width = jnp.where(nlidx, target_size * input_width / input_height, target_width)
    else:
        assert align == 'BOTH'
    return (input_x, input_y, input_width, input_height, target_width, target_height)


def setup_inputs(seed: int = 0) -> dict:
    key = jax.random.key(seed)
    k1, k2 = jax.random.split(key)
    img = jax.random.normal(k1, (1, 3, 512, 512), dtype=jnp.float32)
    bbs = jax.random.uniform(k2, (20000, 4), dtype=jnp.float32)
    return {'img': img, 'bbs': bbs}


def reference(img, bbs):
    height = jnp.float32(img.shape[2])
    width = jnp.float32(img.shape[3])
    input_x, input_y, input_width, input_height, target_width, target_height = _align_box(
        height, width, bbs, 1.5, 256, jnp.float32(3.0))
    return (input_x, input_y, input_width, input_height, target_width, target_height)

if __name__ == "__main__":
    import jax
    _d = setup_inputs()
    print(jax.jit(kernel)(*tuple(_d.values())))

</pallas_src>

<mosaic_0001>
#map = affine_map<(d0, d1) -> (0)>
module attributes {stable_mosaic.version = 14 : i64} {
  func.func @k(%arg0: i32, %arg1: i32, %arg2: memref<20000xf32, #tpu.memory_space<hbm>>, %arg3: memref<20000xf32, #tpu.memory_space<hbm>>, %arg4: memref<20000xf32, #tpu.memory_space<hbm>>, %arg5: memref<20000xf32, #tpu.memory_space<hbm>>, %arg6: memref<20000xf32, #tpu.memory_space<hbm>>, %arg7: memref<20000xf32, #tpu.memory_space<hbm>>, %arg8: memref<20000xf32, #tpu.memory_space<hbm>>, %arg9: memref<20000xf32, #tpu.memory_space<hbm>>, %arg10: memref<20000xf32, #tpu.memory_space<hbm>>, %arg11: memref<20000xf32, #tpu.memory_space<hbm>>, %arg12: memref<640xf32, #tpu.memory_space<vmem>>, %arg13: memref<640xf32, #tpu.memory_space<vmem>>, %arg14: memref<640xf32, #tpu.memory_space<vmem>>, %arg15: memref<640xf32, #tpu.memory_space<vmem>>, %arg16: memref<640xf32, #tpu.memory_space<vmem>>, %arg17: memref<640xf32, #tpu.memory_space<vmem>>, %arg18: memref<640xf32, #tpu.memory_space<vmem>>, %arg19: memref<640xf32, #tpu.memory_space<vmem>>, %arg20: memref<640xf32, #tpu.memory_space<vmem>>, %arg21: memref<640xf32, #tpu.memory_space<vmem>>, %arg22: memref<!tpu.dma_semaphore, #tpu.memory_space<semaphore_mem>>) attributes {dimension_semantics = [#tpu.dimension_semantics<core_parallel>, #tpu.dimension_semantics<subcore_parallel>], iteration_bounds = array<i64: 2, 16>, scalar_prefetch = 0 : i64, scratch_operands = 11 : i64, tpu.core_type = #tpu.core_type<sc_vector_subcore>, window_params = [{transform_indices = #map}, {transform_indices = #map}, {transform_indices = #map}, {transform_indices = #map}, {transform_indices = #map}, {transform_indices = #map}, {transform_indices = #map}, {transform_indices = #map}, {transform_indices = #map}, {transform_indices = #map}]} {
    %mul3A = arith.constant 2 : i32
    %mul3A_0 = arith.muli %arg1, %mul3A : i32
    %add3A = arith.addi %mul3A_0, %arg0 : i32
    %mul3A_1 = arith.constant 640 : i32
    %mul3A_2 = arith.muli %add3A, %mul3A_1 : i32
    %min3A = arith.constant 19360 : i32
    %min3A_3 = arith.minsi %mul3A_2, %min3A : i32
    %multiple_of3A = tpu.assume_multiple %min3A_3, 8 : i32
    %dma_start3A = tpu.memref_slice %arg2[%multiple_of3A] : memref<20000xf32, #tpu.memory_space<hbm>> -> memref<640xf32, #tpu.memory_space<hbm>>
    %dma_start3A_4 = tpu.memref_slice %arg2[%multiple_of3A] : memref<20000xf32, #tpu.memory_space<hbm>> -> memref<640xf32, #tpu.memory_space<hbm>>
    tpu.enqueue_dma source(%dma_start3A_4 : memref<640xf32, #tpu.memory_space<hbm>>) target(%arg12 : memref<640xf32, #tpu.memory_space<vmem>>) target_semaphore(%arg22 : memref<!tpu.dma_semaphore, #tpu.memory_space<semaphore_mem>>)
    %dma_start3A_5 = tpu.memref_slice %arg3[%multiple_of3A] : memref<20000xf32, #tpu.memory_space<hbm>> -> memref<640xf32, #tpu.memory_space<hbm>>
    %dma_start3A_6 = tpu.memref_slice %arg3[%multiple_of3A] : memref<20000xf32, #tpu.memory_space<hbm>> -> memref<640xf32, #tpu.memory_space<hbm>>
    tpu.enqueue_dma source(%dma_start3A_6 : memref<640xf32, #tpu.memory_space<hbm>>) target(%arg13 : memref<640xf32, #tpu.memory_space<vmem>>) target_semaphore(%arg22 : memref<!tpu.dma_semaphore, #tpu.memory_space<semaphore_mem>>)
    %dma_start3A_7 = tpu.memref_slice %arg4[%multiple_of3A] : memref<20000xf32, #tpu.memory_space<hbm>> -> memref<640xf32, #tpu.memory_space<hbm>>
    %dma_start3A_8 = tpu.memref_slice %arg4[%multiple_of3A] : memref<20000xf32, #tpu.memory_space<hbm>> -> memref<640xf32, #tpu.memory_space<hbm>>
    tpu.enqueue_dma source(%dma_start3A_8 : memref<640xf32, #tpu.memory_space<hbm>>) target(%arg14 : memref<640xf32, #tpu.memory_space<vmem>>) target_semaphore(%arg22 : memref<!tpu.dma_semaphore, #tpu.memory_space<semaphore_mem>>)
    %dma_start3A_9 = tpu.memref_slice %arg5[%multiple_of3A] : memref<20000xf32, #tpu.memory_space<hbm>> -> memref<640xf32, #tpu.memory_space<hbm>>
    %dma_start3A_10 = tpu.memref_slice %arg5[%multiple_of3A] : memref<20000xf32, #tpu.memory_space<hbm>> -> memref<640xf32, #tpu.memory_space<hbm>>
    tpu.enqueue_dma source(%dma_start3A_10 : memref<640xf32, #tpu.memory_space<hbm>>) target(%arg15 : memref<640xf32, #tpu.memory_space<vmem>>) target_semaphore(%arg22 : memref<!tpu.dma_semaphore, #tpu.memory_space<semaphore_mem>>)
    %dma_wait3A = tpu.memref_slice %arg2[%multiple_of3A] : memref<20000xf32, #tpu.memory_space<hbm>> -> memref<640xf32, #tpu.memory_space<hbm>>
    %dma_wait3A_11 = tpu.memref_slice %arg2[%multiple_of3A] : memref<20000xf32, #tpu.memory_space<hbm>> -> memref<640xf32, #tpu.memory_space<hbm>>
    tpu.wait_dma2 semaphore(%arg22 : memref<!tpu.dma_semaphore, #tpu.memory_space<semaphore_mem>>) src(%dma_wait3A_11 : memref<640xf32, #tpu.memory_space<hbm>>) dst(%arg12 : memref<640xf32, #tpu.memory_space<vmem>>)
    %dma_wait3A_12 = tpu.memref_slice %arg3[%multiple_of3A] : memref<20000xf32, #tpu.memory_space<hbm>> -> memref<640xf32, #tpu.memory_space<hbm>>
    %dma_wait3A_13 = tpu.memref_slice %arg3[%multiple_of3A] : memref<20000xf32, #tpu.memory_space<hbm>> -> memref<640xf32, #tpu.memory_space<hbm>>
    tpu.wait_dma2 semaphore(%arg22 : memref<!tpu.dma_semaphore, #tpu.memory_space<semaphore_mem>>) src(%dma_wait3A_13 : memref<640xf32, #tpu.memory_space<hbm>>) dst(%arg13 : memref<640xf32, #tpu.memory_space<vmem>>)
    %dma_wait3A_14 = tpu.memref_slice %arg4[%multiple_of3A] : memref<20000xf32, #tpu.memory_space<hbm>> -> memref<640xf32, #tpu.memory_space<hbm>>
    %dma_wait3A_15 = tpu.memref_slice %arg4[%multiple_of3A] : memref<20000xf32, #tpu.memory_space<hbm>> -> memref<640xf32, #tpu.memory_space<hbm>>
    tpu.wait_dma2 semaphore(%arg22 : memref<!tpu.dma_semaphore, #tpu.memory_space<semaphore_mem>>) src(%dma_wait3A_15 : memref<640xf32, #tpu.memory_space<hbm>>) dst(%arg14 : memref<640xf32, #tpu.memory_space<vmem>>)
    %dma_wait3A_16 = tpu.memref_slice %arg5[%multiple_of3A] : memref<20000xf32, #tpu.memory_space<hbm>> -> memref<640xf32, #tpu.memory_space<hbm>>
    %dma_wait3A_17 = tpu.memref_slice %arg5[%multiple_of3A] : memref<20000xf32, #tpu.memory_space<hbm>> -> memref<640xf32, #tpu.memory_space<hbm>>
    tpu.wait_dma2 semaphore(%arg22 : memref<!tpu.dma_semaphore, #tpu.memory_space<semaphore_mem>>) src(%dma_wait3A_17 : memref<640xf32, #tpu.memory_space<hbm>>) dst(%arg15 : memref<640xf32, #tpu.memory_space<vmem>>)
    %parallel_loop3A = arith.constant 0 : i32
    %parallel_loop3A_18 = arith.constant 640 : i32
    %parallel_loop3A_19 = arith.constant 16 : i32
    scf.for %parallel_loop3A_44 = %parallel_loop3A to %parallel_loop3A_18 step %parallel_loop3A_19  : i32 {
      %parallel_loop3A_45 = arith.index_cast %parallel_loop3A_44 : i32 to index
      %parallel_loop3A_46 = tpu.vector_load %arg12[%parallel_loop3A_45] {strides = array<i32>} : memref<640xf32, #tpu.memory_space<vmem>>, vector<16xf32>,
      %parallel_loop3A_47 = vector.shape_cast %parallel_loop3A_46 : vector<16xf32> to vector<16xf32>
      %parallel_loop3A_48 = arith.index_cast %parallel_loop3A_44 : i32 to index
      %parallel_loop3A_49 = tpu.vector_load %arg13[%parallel_loop3A_48] {strides = array<i32>} : memref<640xf32, #tpu.memory_space<vmem>>, vector<16xf32>,
      %parallel_loop3A_50 = vector.shape_cast %parallel_loop3A_49 : vector<16xf32> to vector<16xf32>
      %parallel_loop3A_51 = arith.index_cast %parallel_loop3A_44 : i32 to index
      %parallel_loop3A_52 = tpu.vector_load %arg14[%parallel_loop3A_51] {strides = array<i32>} : memref<640xf32, #tpu.memory_space<vmem>>, vector<16xf32>,
      %parallel_loop3A_53 = vector.shape_cast %parallel_loop3A_52 : vector<16xf32> to vector<16xf32>
      %parallel_loop3A_54 = arith.index_cast %parallel_loop3A_44 : i32 to index
      %parallel_loop3A_55 = tpu.vector_load %arg15[%parallel_loop3A_54] {strides = array<i32>} : memref<640xf32, #tpu.memory_space<vmem>>, vector<16xf32>,
      %parallel_loop3A_56 = vector.shape_cast %parallel_loop3A_55 : vector<16xf32> to vector<16xf32>
      %parallel_loop3A_57 = arith.constant 1.500000e+00 : f32
      %parallel_loop3A_58 = vector.broadcast %parallel_loop3A_57 : f32 to vector<16xf32>
      %parallel_loop3A_59 = arith.mulf %parallel_loop3A_53, %parallel_loop3A_58 : vector<16xf32>
      %parallel_loop3A_60 = arith.fptosi %parallel_loop3A_59 : vector<16xf32> to vector<16xi32>
      %parallel_loop3A_61 = arith.sitofp %parallel_loop3A_60 : vector<16xi32> to vector<16xf32>
      %parallel_loop3A_62 = arith.cmpf olt, %parallel_loop3A_61, %parallel_loop3A_59 : vector<16xf32>
      %parallel_loop3A_63 = arith.constant 1.000000e+00 : f32
      %parallel_loop3A_64 = vector.broadcast %parallel_loop3A_63 : f32 to vector<16xf32>
      %parallel_loop3A_65 = arith.addf %parallel_loop3A_61, %parallel_loop3A_64 : vector<16xf32>
      %parallel_loop3A_66 = arith.select %parallel_loop3A_62, %parallel_loop3A_65, %parallel_loop3A_61 : vector<16xi1>, vector<16xf32>
      %parallel_loop3A_67 = arith.constant 1.500000e+00 : f32
      %parallel_loop3A_68 = vector.broadcast %parallel_loop3A_67 : f32 to vector<16xf32>
      %parallel_loop3A_69 = arith.mulf %parallel_loop3A_56, %parallel_loop3A_68 : vector<16xf32>
      %parallel_loop3A_70 = arith.fptosi %parallel_loop3A_69 : vector<16xf32> to vector<16xi32>
      %parallel_loop3A_71 = arith.sitofp %parallel_loop3A_70 : vector<16xi32> to vector<16xf32>
      %parallel_loop3A_72 = arith.cmpf olt, %parallel_loop3A_71, %parallel_loop3A_69 : vector<16xf32>
      %parallel_loop3A_73 = arith.constant 1.000000e+00 : f32
      %parallel_loop3A_74 = vector.broadcast %parallel_loop3A_73 : f32 to vector<16xf32>
      %parallel_loop3A_75 = arith.addf %parallel_loop3A_71, %parallel_loop3A_74 : vector<16xf32>
      %parallel_loop3A_76 = arith.select %parallel_loop3A_72, %parallel_loop3A_75, %parallel_loop3A_71 : vector<16xi1>, vector<16xf32>
      %parallel_loop3A_77 = arith.constant 5.000000e-01 : f32
      %parallel_loop3A_78 = vector.broadcast %parallel_loop3A_77 : f32 to vector<16xf32>
      %parallel_loop3A_79 = arith.mulf %parallel_loop3A_66, %parallel_loop3A_78 : vector<16xf32>
      %parallel_loop3A_80 = arith.subf %parallel_loop3A_47, %parallel_loop3A_79 : vector<16xf32>
      %parallel_loop3A_81 = arith.fptosi %parallel_loop3A_80 : vector<16xf32> to vector<16xi32>
      %parallel_loop3A_82 = arith.sitofp %parallel_loop3A_81 : vector<16xi32> to vector<16xf32>
      %parallel_loop3A_83 = arith.cmpf ogt, %parallel_loop3A_82, %parallel_loop3A_80 : vector<16xf32>
      %parallel_loop3A_84 = arith.constant 1.000000e+00 : f32
      %parallel_loop3A_85 = vector.broadcast %parallel_loop3A_84 : f32 to vector<16xf32>
      %parallel_loop3A_86 = arith.subf %parallel_loop3A_82, %parallel_loop3A_85 : vector<16xf32>
      %parallel_loop3A_87 = arith.select %parallel_loop3A_83, %parallel_loop3A_86, %parallel_loop3A_82 : vector<16xi1>, vector<16xf32>
      %parallel_loop3A_88 = arith.constant 0.000000e+00 : f32
      %parallel_loop3A_89 = vector.broadcast %parallel_loop3A_88 : f32 to vector<16xf32>
      %parallel_loop3A_90 = arith.cmpf olt, %parallel_loop3A_87, %parallel_loop3A_89 : vector<16xf32>
      %parallel_loop3A_91 = arith.addf %parallel_loop3A_66, %parallel_loop3A_87 : vector<16xf32>
      %parallel_loop3A_92 = arith.select %parallel_loop3A_90, %parallel_loop3A_91, %parallel_loop3A_66 : vector<16xi1>, vector<16xf32>
      %parallel_loop3A_93 = arith.constant 0.000000e+00 : f32
      %parallel_loop3A_94 = vector.broadcast %parallel_loop3A_93 : f32 to vector<16xf32>
      %parallel_loop3A_95 = arith.select %parallel_loop3A_90, %parallel_loop3A_94, %parallel_loop3A_87 : vector<16xi1>, vector<16xf32>
      %parallel_loop3A_96 = arith.constant 5.000000e-01 : f32
      %parallel_loop3A_97 = vector.broadcast %parallel_loop3A_96 : f32 to vector<16xf32>
      %parallel_loop3A_98 = arith.mulf %parallel_loop3A_76, %parallel_loop3A_97 : vector<16xf32>
      %parallel_loop3A_99 = arith.subf %parallel_loop3A_50, %parallel_loop3A_98 : vector<16xf32>
      %parallel_loop3A_100 = arith.fptosi %parallel_loop3A_99 : vector<16xf32> to vector<16xi32>
      %parallel_loop3A_101 = arith.sitofp %parallel_loop3A_100 : vector<16xi32> to vector<16xf32>
      %parallel_loop3A_102 = arith.cmpf ogt, %parallel_loop3A_101, %parallel_loop3A_99 : vector<16xf32>
      %parallel_loop3A_103 = arith.constant 1.000000e+00 : f32
      %parallel_loop3A_104 = vector.broadcast %parallel_loop3A_103 : f32 to vector<16xf32>
      %parallel_loop3A_105 = arith.subf %parallel_loop3A_101, %parallel_loop3A_104 : vector<16xf32>
      %parallel_loop3A_106 = arith.select %parallel_loop3A_102, %parallel_loop3A_105, %parallel_loop3A_101 : vector<16xi1>, vector<16xf32>
      %parallel_loop3A_107 = arith.constant 0.000000e+00 : f32
      %parallel_loop3A_108 = vector.broadcast %parallel_loop3A_107 : f32 to vector<16xf32>
      %parallel_loop3A_109 = arith.cmpf olt, %parallel_loop3A_106, %parallel_loop3A_108 : vector<16xf32>
      %parallel_loop3A_110 = arith.addf %parallel_loop3A_76, %parallel_loop3A_106 : vector<16xf32>
      %parallel_loop3A_111 = arith.select %parallel_loop3A_109, %parallel_loop3A_110, %parallel_loop3A_76 : vector<16xi1>, vector<16xf32>
      %parallel_loop3A_112 = arith.constant 0.000000e+00 : f32
      %parallel_loop3A_113 = vector.broadcast %parallel_loop3A_112 : f32 to vector<16xf32>
      %parallel_loop3A_114 = arith.select %parallel_loop3A_109, %parallel_loop3A_113, %parallel_loop3A_106 : vector<16xi1>, vector<16xf32>
      %parallel_loop3A_115 = arith.constant 3.000000e+00 : f32
      %parallel_loop3A_116 = vector.broadcast %parallel_loop3A_115 : f32 to vector<16xf32>
      %parallel_loop3A_117 = arith.maximumf %parallel_loop3A_92, %parallel_loop3A_116 : vector<16xf32>
      %parallel_loop3A_118 = arith.constant 3.000000e+00 : f32
      %parallel_loop3A_119 = vector.broadcast %parallel_loop3A_118 : f32 to vector<16xf32>
      %parallel_loop3A_120 = arith.maximumf %parallel_loop3A_111, %parallel_loop3A_119 : vector<16xf32>
      %parallel_loop3A_121 = arith.constant 5.120000e+02 : f32
      %parallel_loop3A_122 = vector.broadcast %parallel_loop3A_121 : f32 to vector<16xf32>
      %parallel_loop3A_123 = arith.subf %parallel_loop3A_122, %parallel_loop3A_95 : vector<16xf32>
      %parallel_loop3A_124 = arith.cmpf olt, %parallel_loop3A_117, %parallel_loop3A_123 : vector<16xf32>
      %parallel_loop3A_125 = arith.select %parallel_loop3A_124, %parallel_loop3A_117, %parallel_loop3A_123 : vector<16xi1>, vector<16xf32>
      %parallel_loop3A_126 = arith.constant 5.120000e+02 : f32
      %parallel_loop3A_127 = vector.broadcast %parallel_loop3A_126 : f32 to vector<16xf32>
      %parallel_loop3A_128 = arith.subf %parallel_loop3A_127, %parallel_loop3A_114 : vector<16xf32>
      %parallel_loop3A_129 = arith.cmpf olt, %parallel_loop3A_120, %parallel_loop3A_128 : vector<16xf32>
      %parallel_loop3A_130 = arith.select %parallel_loop3A_129, %parallel_loop3A_120, %parallel_loop3A_128 : vector<16xi1>, vector<16xf32>
      %parallel_loop3A_131 = arith.constant 3.000000e+00 : f32
      %parallel_loop3A_132 = vector.broadcast %parallel_loop3A_131 : f32 to vector<16xf32>
      %parallel_loop3A_133 = arith.cmpf olt, %parallel_loop3A_125, %parallel_loop3A_132 : vector<16xf32>
      %parallel_loop3A_134 = arith.constant 3.000000e+00 : f32
      %parallel_loop3A_135 = vector.broadcast %parallel_loop3A_134 : f32 to vector<16xf32>
      %parallel_loop3A_136 = arith.select %parallel_loop3A_133, %parallel_loop3A_135, %parallel_loop3A_125 : vector<16xi1>, vector<16xf32>
      %parallel_loop3A_137 = arith.constant 5.090000e+02 : f32
      %parallel_loop3A_138 = vector.broadcast %parallel_loop3A_137 : f32 to vector<16xf32>
      %parallel_loop3A_139 = arith.select %parallel_loop3A_133, %parallel_loop3A_138, %parallel_loop3A_95 : vector<16xi1>, vector<16xf32>
      %parallel_loop3A_140 = arith.constant 3.000000e+00 : f32
      %parallel_loop3A_141 = vector.broadcast %parallel_loop3A_140 : f32 to vector<16xf32>
      %parallel_loop3A_142 = arith.cmpf olt, %parallel_loop3A_130, %parallel_loop3A_141 : vector<16xf32>
      %parallel_loop3A_143 = arith.constant 3.000000e+00 : f32
      %parallel_loop3A_144 = vector.broadcast %parallel_loop3A_143 : f32 to vector<16xf32>
      %parallel_loop3A_145 = arith.select %parallel_loop3A_142, %parallel_loop3A_144, %parallel_loop3A_130 : vector<16xi1>, vector<16xf32>
      %parallel_loop3A_146 = arith.constant 5.090000e+02 : f32
      %parallel_loop3A_147 = vector.broadcast %parallel_loop3A_146 : f32 to vector<16xf32>
      %parallel_loop3A_148 = arith.select %parallel_loop3A_142, %parallel_loop3A_147, %parallel_loop3A_114 : vector<16xi1>, vector<16xf32>
      %parallel_loop3A_149 = arith.constant 2.560000e+02 : f32
      %parallel_loop3A_150 = vector.broadcast %parallel_loop3A_149 : f32 to vector<16xf32>
      %parallel_loop3A_151 = arith.mulf %parallel_loop3A_150, %parallel_loop3A_145 : vector<16xf32>
      %parallel_loop3A_152 = arith.divf %parallel_loop3A_151, %parallel_loop3A_136 : vector<16xf32>
      %parallel_loop3A_153 = arith.constant 2.560000e+02 : f32
      %parallel_loop3A_154 = vector.broadcast %parallel_loop3A_153 : f32 to vector<16xf32>
      %parallel_loop3A_155 = arith.maximumf %parallel_loop3A_152, %parallel_loop3A_154 : vector<16xf32>
      %parallel_loop3A_156 = arith.constant 2.560000e+02 : f32
      %parallel_loop3A_157 = vector.broadcast %parallel_loop3A_156 : f32 to vector<16xf32>
      %parallel_loop3A_158 = arith.mulf %parallel_loop3A_157, %parallel_loop3A_136 : vector<16xf32>
      %parallel_loop3A_159 = arith.divf %parallel_loop3A_158, %parallel_loop3A_145 : vector<16xf32>
      %parallel_loop3A_160 = arith.constant 2.560000e+02 : f32
      %parallel_loop3A_161 = vector.broadcast %parallel_loop3A_160 : f32 to vector<16xf32>
      %parallel_loop3A_162 = arith.maximumf %parallel_loop3A_159, %parallel_loop3A_161 : vector<16xf32>
      %parallel_loop3A_163 = arith.index_cast %parallel_loop3A_44 : i32 to index
      %parallel_loop3A_164 = tpu.vector_load %arg16[%parallel_loop3A_163] {strides = array<i32>} : memref<640xf32, #tpu.memory_space<vmem>>, vector<16xf32>,
      %parallel_loop3A_165 = vector.shape_cast %parallel_loop3A_164 : vector<16xf32> to vector<16xf32>
      %parallel_loop3A_166 = vector.shape_cast %parallel_loop3A_139 : vector<16xf32> to vector<16xf32>
      tpu.vector_store %arg16[%parallel_loop3A_163], %parallel_loop3A_166 {strides = array<i32>} : memref<640xf32, #tpu.memory_space<vmem>>, vector<16xf32>,
      %parallel_loop3A_167 = arith.index_cast %parallel_loop3A_44 : i32 to index
      %parallel_loop3A_168 = tpu.vector_load %arg17[%parallel_loop3A_167] {strides = array<i32>} : memref<640xf32, #tpu.memory_space<vmem>>, vector<16xf32>,
      %parallel_loop3A_169 = vector.shape_cast %parallel_loop3A_168 : vector<16xf32> to vector<16xf32>
      %parallel_loop3A_170 = vector.shape_cast %parallel_loop3A_148 : vector<16xf32> to vector<16xf32>
      tpu.vector_store %arg17[%parallel_loop3A_167], %parallel_loop3A_170 {strides = array<i32>} : memref<640xf32, #tpu.memory_space<vmem>>, vector<16xf32>,
      %parallel_loop3A_171 = arith.index_cast %parallel_loop3A_44 : i32 to index
      %parallel_loop3A_172 = tpu.vector_load %arg18[%parallel_loop3A_171] {strides = array<i32>} : memref<640xf32, #tpu.memory_space<vmem>>, vector<16xf32>,
      %parallel_loop3A_173 = vector.shape_cast %parallel_loop3A_172 : vector<16xf32> to vector<16xf32>
      %parallel_loop3A_174 = vector.shape_cast %parallel_loop3A_136 : vector<16xf32> to vector<16xf32>
      tpu.vector_store %arg18[%parallel_loop3A_171], %parallel_loop3A_174 {strides = array<i32>} : memref<640xf32, #tpu.memory_space<vmem>>, vector<16xf32>,
      %parallel_loop3A_175 = arith.index_cast %parallel_loop3A_44 : i32 to index
      %parallel_loop3A_176 = tpu.vector_load %arg19[%parallel_loop3A_175] {strides = array<i32>} : memref<640xf32, #tpu.memory_space<vmem>>, vector<16xf32>,
      %parallel_loop3A_177 = vector.shape_cast %parallel_loop3A_176 : vector<16xf32> to vector<16xf32>
      %parallel_loop3A_178 = vector.shape_cast %parallel_loop3A_145 : vector<16xf32> to vector<16xf32>
      tpu.vector_store %arg19[%parallel_loop3A_175], %parallel_loop3A_178 {strides = array<i32>} : memref<640xf32, #tpu.memory_space<vmem>>, vector<16xf32>,
      %parallel_loop3A_179 = arith.index_cast %parallel_loop3A_44 : i32 to index
      %parallel_loop3A_180 = tpu.vector_load %arg20[%parallel_loop3A_179] {strides = array<i32>} : memref<640xf32, #tpu.memory_space<vmem>>, vector<16xf32>,
      %parallel_loop3A_181 = vector.shape_cast %parallel_loop3A_180 : vector<16xf32> to vector<16xf32>
      %parallel_loop3A_182 = vector.shape_cast %parallel_loop3A_162 : vector<16xf32> to vector<16xf32>
      tpu.vector_store %arg20[%parallel_loop3A_179], %parallel_loop3A_182 {strides = array<i32>} : memref<640xf32, #tpu.memory_space<vmem>>, vector<16xf32>,
      %parallel_loop3A_183 = arith.index_cast %parallel_loop3A_44 : i32 to index
      %parallel_loop3A_184 = tpu.vector_load %arg21[%parallel_loop3A_183] {strides = array<i32>} : memref<640xf32, #tpu.memory_space<vmem>>, vector<16xf32>,
      %parallel_loop3A_185 = vector.shape_cast %parallel_loop3A_184 : vector<16xf32> to vector<16xf32>
      %parallel_loop3A_186 = vector.shape_cast %parallel_loop3A_155 : vector<16xf32> to vector<16xf32>
      tpu.vector_store %arg21[%parallel_loop3A_183], %parallel_loop3A_186 {strides = array<i32>} : memref<640xf32, #tpu.memory_space<vmem>>, vector<16xf32>,
    } {sc.loop_unroll_factor = 4 : i64, sc.parallel_access}
    %dma_start3A_20 = tpu.memref_slice %arg6[%multiple_of3A] : memref<20000xf32, #tpu.memory_space<hbm>> -> memref<640xf32, #tpu.memory_space<hbm>>
    %dma_start3A_21 = tpu.memref_slice %arg6[%multiple_of3A] : memref<20000xf32, #tpu.memory_space<hbm>> -> memref<640xf32, #tpu.memory_space<hbm>>
    tpu.enqueue_dma source(%arg16 : memref<640xf32, #tpu.memory_space<vmem>>) target(%dma_start3A_21 : memref<640xf32, #tpu.memory_space<hbm>>) target_semaphore(%arg22 : memref<!tpu.dma_semaphore, #tpu.memory_space<semaphore_mem>>)
    %dma_start3A_22 = tpu.memref_slice %arg7[%multiple_of3A] : memref<20000xf32, #tpu.memory_space<hbm>> -> memref<640xf32, #tpu.memory_space<hbm>>
    %dma_start3A_23 = tpu.memref_slice %arg7[%multiple_of3A] : memref<20000xf32, #tpu.memory_space<hbm>> -> memref<640xf32, #tpu.memory_space<hbm>>
    tpu.enqueue_dma source(%arg17 : memref<640xf32, #tpu.memory_space<vmem>>) target(%dma_start3A_23 : memref<640xf32, #tpu.memory_space<hbm>>) target_semaphore(%arg22 : memref<!tpu.dma_semaphore, #tpu.memory_space<semaphore_mem>>)
    %dma_start3A_24 = tpu.memref_slice %arg8[%multiple_of3A] : memref<20000xf32, #tpu.memory_space<hbm>> -> memref<640xf32, #tpu.memory_space<hbm>>
    %dma_start3A_25 = tpu.memref_slice %arg8[%multiple_of3A] : memref<20000xf32, #tpu.memory_space<hbm>> -> memref<640xf32, #tpu.memory_space<hbm>>
    tpu.enqueue_dma source(%arg18 : memref<640xf32, #tpu.memory_space<vmem>>) target(%dma_start3A_25 : memref<640xf32, #tpu.memory_space<hbm>>) target_semaphore(%arg22 : memref<!tpu.dma_semaphore, #tpu.memory_space<semaphore_mem>>)
    %dma_start3A_26 = tpu.memref_slice %arg9[%multiple_of3A] : memref<20000xf32, #tpu.memory_space<hbm>> -> memref<640xf32, #tpu.memory_space<hbm>>
    %dma_start3A_27 = tpu.memref_slice %arg9[%multiple_of3A] : memref<20000xf32, #tpu.memory_space<hbm>> -> memref<640xf32, #tpu.memory_space<hbm>>
    tpu.enqueue_dma source(%arg19 : memref<640xf32, #tpu.memory_space<vmem>>) target(%dma_start3A_27 : memref<640xf32, #tpu.memory_space<hbm>>) target_semaphore(%arg22 : memref<!tpu.dma_semaphore, #tpu.memory_space<semaphore_mem>>)
    %dma_start3A_28 = tpu.memref_slice %arg10[%multiple_of3A] : memref<20000xf32, #tpu.memory_space<hbm>> -> memref<640xf32, #tpu.memory_space<hbm>>
    %dma_start3A_29 = tpu.memref_slice %arg10[%multiple_of3A] : memref<20000xf32, #tpu.memory_space<hbm>> -> memref<640xf32, #tpu.memory_space<hbm>>
    tpu.enqueue_dma source(%arg20 : memref<640xf32, #tpu.memory_space<vmem>>) target(%dma_start3A_29 : memref<640xf32, #tpu.memory_space<hbm>>) target_semaphore(%arg22 : memref<!tpu.dma_semaphore, #tpu.memory_space<semaphore_mem>>)
    %dma_start3A_30 = tpu.memref_slice %arg11[%multiple_of3A] : memref<20000xf32, #tpu.memory_space<hbm>> -> memref<640xf32, #tpu.memory_space<hbm>>
    %dma_start3A_31 = tpu.memref_slice %arg11[%multiple_of3A] : memref<20000xf32, #tpu.memory_space<hbm>> -> memref<640xf32, #tpu.memory_space<hbm>>
    tpu.enqueue_dma source(%arg21 : memref<640xf32, #tpu.memory_space<vmem>>) target(%dma_start3A_31 : memref<640xf32, #tpu.memory_space<hbm>>) target_semaphore(%arg22 : memref<!tpu.dma_semaphore, #tpu.memory_space<semaphore_mem>>)
    %dma_wait3A_32 = tpu.memref_slice %arg6[%multiple_of3A] : memref<20000xf32, #tpu.memory_space<hbm>> -> memref<640xf32, #tpu.memory_space<hbm>>
    %dma_wait3A_33 = tpu.memref_slice %arg6[%multiple_of3A] : memref<20000xf32, #tpu.memory_space<hbm>> -> memref<640xf32, #tpu.memory_space<hbm>>
    tpu.wait_dma2 semaphore(%arg22 : memref<!tpu.dma_semaphore, #tpu.memory_space<semaphore_mem>>) src(%arg16 : memref<640xf32, #tpu.memory_space<vmem>>) dst(%dma_wait3A_33 : memref<640xf32, #tpu.memory_space<hbm>>)
    %dma_wait3A_34 = tpu.memref_slice %arg7[%multiple_of3A] : memref<20000xf32, #tpu.memory_space<hbm>> -> memref<640xf32, #tpu.memory_space<hbm>>
    %dma_wait3A_35 = tpu.memref_slice %arg7[%multiple_of3A] : memref<20000xf32, #tpu.memory_space<hbm>> -> memref<640xf32, #tpu.memory_space<hbm>>
    tpu.wait_dma2 semaphore(%arg22 : memref<!tpu.dma_semaphore, #tpu.memory_space<semaphore_mem>>) src(%arg17 : memref<640xf32, #tpu.memory_space<vmem>>) dst(%dma_wait3A_35 : memref<640xf32, #tpu.memory_space<hbm>>)
    %dma_wait3A_36 = tpu.memref_slice %arg8[%multiple_of3A] : memref<20000xf32, #tpu.memory_space<hbm>> -> memref<640xf32, #tpu.memory_space<hbm>>
    %dma_wait3A_37 = tpu.memref_slice %arg8[%multiple_of3A] : memref<20000xf32, #tpu.memory_space<hbm>> -> memref<640xf32, #tpu.memory_space<hbm>>
    tpu.wait_dma2 semaphore(%arg22 : memref<!tpu.dma_semaphore, #tpu.memory_space<semaphore_mem>>) src(%arg18 : memref<640xf32, #tpu.memory_space<vmem>>) dst(%dma_wait3A_37 : memref<640xf32, #tpu.memory_space<hbm>>)
    %dma_wait3A_38 = tpu.memref_slice %arg9[%multiple_of3A] : memref<20000xf32, #tpu.memory_space<hbm>> -> memref<640xf32, #tpu.memory_space<hbm>>
    %dma_wait3A_39 = tpu.memref_slice %arg9[%multiple_of3A] : memref<20000xf32, #tpu.memory_space<hbm>> -> memref<640xf32, #tpu.memory_space<hbm>>
    tpu.wait_dma2 semaphore(%arg22 : memref<!tpu.dma_semaphore, #tpu.memory_space<semaphore_mem>>) src(%arg19 : memref<640xf32, #tpu.memory_space<vmem>>) dst(%dma_wait3A_39 : memref<640xf32, #tpu.memory_space<hbm>>)
    %dma_wait3A_40 = tpu.memref_slice %arg10[%multiple_of3A] : memref<20000xf32, #tpu.memory_space<hbm>> -> memref<640xf32, #tpu.memory_space<hbm>>
    %dma_wait3A_41 = tpu.memref_slice %arg10[%multiple_of3A] : memref<20000xf32, #tpu.memory_space<hbm>> -> memref<640xf32, #tpu.memory_space<hbm>>
    tpu.wait_dma2 semaphore(%arg22 : memref<!tpu.dma_semaphore, #tpu.memory_space<semaphore_mem>>) src(%arg20 : memref<640xf32, #tpu.memory_space<vmem>>) dst(%dma_wait3A_41 : memref<640xf32, #tpu.memory_space<hbm>>)
    %dma_wait3A_42 = tpu.memref_slice %arg11[%multiple_of3A] : memref<20000xf32, #tpu.memory_space<hbm>> -> memref<640xf32, #tpu.memory_space<hbm>>
    %dma_wait3A_43 = tpu.memref_slice %arg11[%multiple_of3A] : memref<20000xf32, #tpu.memory_space<hbm>> -> memref<640xf32, #tpu.memory_space<hbm>>
    tpu.wait_dma2 semaphore(%arg22 : memref<!tpu.dma_semaphore, #tpu.memory_space<semaphore_mem>>) src(%arg21 : memref<640xf32, #tpu.memory_space<vmem>>) dst(%dma_wait3A_43 : memref<640xf32, #tpu.memory_space<hbm>>)
    return
  }
}

</mosaic_0001>

<sc_bundles>
// kernel: kernel.3.cloned.1.call-start
scs
__scs_entry_jumppad:
0x0: {  	(pc) =	sbr.rel $0x88, $3  }
0x1: {  	(tag) =	ssettag $0x0;
	lr =	simm.s32 $0x1  }
0x2: {  	[smem:$0x3FA0] =	sst lr;
	_ =	strace $0xD0000000  }
0x3: {  	_ = 	snop  }
0x4: {  	_ = 	snop  }
0x5: {  	_ = 	snop  }
0x6: {  	_ = 	snop  }
0x7: {  	_ = 	snop  }
__scs_overlays_trampoline_lowered:
0x8: {  	[smem:$0x3FAF] =	sst s0  }
0x9: {  	[smem:$0x3FB0] =	sst s1  }
0xa: {  	[smem:$0x3FB1] =	sst s2  }
0xb: {  	[smem:$0x3FB2] =	sst s3  }
0xc: {  	[smem:$0x3FB3] =	sst s4  }
0xd: {  	[smem:$0x3FB4] =	sst s5  }
0xe: {  	[smem:$0x3FB5] =	sst s6  }
0xf: {  	[smem:$0x3FB6] =	sst s7  }
0x10: {  	[smem:$0x3FB7] =	sst s8  }
0x11: {  	[smem:$0x3FB8] =	sst s9;
	s0 =	simm.s32 @!p0 $0x0  }
0x12: {  	s1 =	sld [smem:$0x3F9E];
	s0 =	simm.s32 @p0 $0x1  }
0x13: {  	[smem:$0x3FB9] =	sst s0;
	s0 =	simm.s32 @!p1 $0x0  }
0x14: {  	s2 =	sld [smem:$0x3F9D];
	s0 =	simm.s32 @p1 $0x1  }
0x15: {  	[smem:$0x3FBA] =	sst s0;
	s0 =	simm.s32 @!p2 $0x0  }
0x16: {  	s3 =	sld [smem:$0x3FDB];
	s0 =	simm.s32 @p2 $0x1  }
0x17: {  	s4 =	simm.s32 $0x1BF5;
	[smem:$0x3FBC] =	sst s0  }
0x18: {  	s0 =	sld [smem:$0x3F9F];
	_ =	swait.ge [sflag:s4], $0x0  }
0x19: {  	s7 =	sld [smem:$0x3FA0]  }
0x1a: {  	s8 =	sadd.s32 $0xFFFFE003, lr  }
0x1b: {  	s9 =	sadd.s32 $0xFFFFFEF7, lr;
	s5 =	simm.s32 $0xFFFFFFFF;
	p2 =	slt.u32 s8, $0xFFFFF086  }
0x1c: {  	p1 =	slt.u32 s9, $0xF7A;
	s5 =	simm.s32 @!p2 $0x0  }
0x1d: {  	s5 =	simm.s32 @p1 $0x1;
	p0 =	seq.s32 s7, s2  }
0x1e: {  	s7 =	smul.u32 @!p0 $0xF7A, s2;
	p2 =	seq.s32 @!p0 s5, $0x0  }
0x1f: {  	s9 =	smul.u32 $0xF7A, s1;
	s8 =	simm.s32 @!p0 $0x1BF5;
	p2 =	por !p2, p0  }
0x20: {  	[sflag:s8] =	ssyncset.s32 @!p0 $0xFFFFF086;
	s6 =	sadd.s32 @!p0 s3, s7;
	s7 =	simm.s32 @!p0 $0x108  }
0x21: {  	s3 =	sadd.s32 s3, s9;
	s6 =	sadd.s32 @!p0 $0x88, s6;
	s7 =	simm.s32 @p2 $0x1082  }
0x22: {  	[simem:s7], [sflag:s8] =	dma.local @!p0 [hbm:s6], $0xF7A  }
0x23: {  	s9 =	sor.u32 $0xD0000000, s2;
	s6 =	simm.s32 $0x108;
	_ =	swait.ge @!p0 [sflag:s8], $0x0  }
0x24: {  	s3 =	sadd.s32 $0x88, s3;
	s6 =	simm.s32 @!p1 $0x1082;
	[sflag:s4] =	ssyncset.s32 $0xFFFFF086  }
0x25: {  	[simem:s6], [sflag:s4] =	dma.local [hbm:s3], $0xF7A  }
0x26: {  	[smem:$0x3FA0] =	sst s1;
	(tag) =	ssettag s2;
	_ =	strace s9  }
0x27: {  	s1 =	sld [smem:$0x3FB0]  }
0x28: {  	s2 =	sld [smem:$0x3FB1]  }
0x29: {  	s4 =	sld [smem:$0x3FB3]  }
0x2a: {  	p0 =	seq.s32 s5, $0x0;
	s5 =	sld [smem:$0x3FB4]  }
0x2b: {  	s6 =	sld [smem:$0x3FB5]  }
0x2c: {  	s7 =	sld [smem:$0x3FB6]  }
0x2d: {  	s3 =	simm.s32 $0x108;
	s8 =	sld [smem:$0x3FB7]  }
0x2e: {  	s3 =	simm.s32 @!p0 $0x1082;
	s9 =	sld [smem:$0x3FB8]  }
0x2f: {  	lr =	sadd.s32 s0, s3;
	s0 =	sld [smem:$0x3FAF]  }
0x30: {  	s3 =	sld [smem:$0x3FB2]  }
0x31: {  	[smem:$0x3FBB] =	sst s10  }
0x32: {  	s10 =	sld [smem:$0x3FB9];
	_ =	sdelay $0x3  }
0x33: {  	p0 =	seq.s32 s10, $0x1;
	s10 =	sld [smem:$0x3FBB];
	_ =	sdelay $0x3  }
0x34: {  	[smem:$0x3FBB] =	sst s10  }
0x35: {  	s10 =	sld [smem:$0x3FBA];
	_ =	sdelay $0x3  }
0x36: {  	p1 =	seq.s32 s10, $0x1;
	s10 =	sld [smem:$0x3FBB];
	_ =	sdelay $0x3  }
0x37: {  	[smem:$0x3FBB] =	sst s10  }
0x38: {  	s10 =	sld [smem:$0x3FBC]  }
0x39: {  	_ = 	snop;
	(pc) =	sbr.ind lr, $3  }
0x3a: {  	_ = 	snop  }
0x3b: {  	_ = 	snop  }
0x3c: {  	p2 =	seq.s32 s10, $0x1;
	s10 =	sld [smem:$0x3FBB]  }
0x3d: {  	_ =	shalt  }
0x3e: {  	_ =	shalt  }
0x3f: {  	_ =	shalt  }
0x40: {  	_ =	shalt  }
0x41: {  	_ =	shalt  }
0x42: {  	_ =	shalt  }
0x43: {  	_ =	shalt  }
0x44: {  	_ =	shalt  }
0x45: {  	_ =	shalt  }
0x46: {  	_ =	shalt  }
0x47: {  	_ =	shalt  }
0x48: {  	_ =	shalt  }
0x49: {  	_ =	shalt  }
0x4a: {  	_ =	shalt  }
0x4b: {  	_ =	shalt  }
0x4c: {  	_ =	shalt  }
0x4d: {  	_ =	shalt  }
0x4e: {  	_ =	shalt  }
0x4f: {  	_ =	shalt  }
0x50: {  	_ =	shalt  }
0x51: {  	_ =	shalt  }
0x52: {  	_ =	shalt  }
0x53: {  	_ =	shalt  }
0x54: {  	_ =	shalt  }
0x55: {  	_ =	shalt  }
0x56: {  	_ =	shalt  }
0x57: {  	_ =	shalt  }
0x58: {  	_ =	shalt  }
0x59: {  	_ =	shalt  }
0x5a: {  	_ =	shalt  }
0x5b: {  	_ =	shalt  }
0x5c: {  	_ =	shalt  }
0x5d: {  	_ =	shalt  }
0x5e: {  	_ =	shalt  }
0x5f: {  	_ =	shalt  }
0x60: {  	_ =	shalt  }
0x61: {  	_ =	shalt  }
0x62: {  	_ =	shalt  }
0x63: {  	_ =	shalt  }
0x64: {  	_ =	shalt  }
0x65: {  	_ =	shalt  }
0x66: {  	_ =	shalt  }
0x67: {  	_ =	shalt  }
0x68: {  	_ =	shalt  }
0x69: {  	_ =	shalt  }
0x6a: {  	_ =	shalt  }
0x6b: {  	_ =	shalt  }
0x6c: {  	_ =	shalt  }
0x6d: {  	_ =	shalt  }
0x6e: {  	_ =	shalt  }
0x6f: {  	_ =	shalt  }
0x70: {  	_ =	shalt  }
0x71: {  	_ =	shalt  }
0x72: {  	_ =	shalt  }
0x73: {  	_ =	shalt  }
0x74: {  	_ =	shalt  }
0x75: {  	_ =	shalt  }
0x76: {  	_ =	shalt  }
0x77: {  	_ =	shalt  }
0x78: {  	_ =	shalt  }
0x79: {  	_ =	shalt  }
0x7a: {  	_ =	shalt  }
0x7b: {  	_ =	shalt  }
0x7c: {  	_ =	shalt  }
0x7d: {  	_ =	shalt  }
0x7e: {  	_ =	shalt  }
0x7f: {  	_ =	shalt  }
0x80: {  	_ =	shalt  }
0x81: {  	_ =	shalt  }
0x82: {  	_ =	shalt  }
0x83: {  	_ =	shalt  }
0x84: {  	_ =	shalt  }
0x85: {  	_ =	shalt  }
0x86: {  	_ =	shalt  }
0x87: {  	_ =	shalt  }
.Lfunc_end0:
.L_simem_size_0:
called_computation_lowered:
.L_overlay_start_0:
0x88: {  	s2 =	sld [smem:$0x3FD9]  }
0x89: {  	s3 =	sld [smem:$0x3FFE];
	_ =	sdelay $0x1  }
0x8a: {  	s1 =	srdreg.scid  }
0x8b: {  	s0 =	sand.u32 $0x1, s1  }
0x8c: {  	s14 =	sshll.u32 s0, $0xA;
	s2 =	sadd.s32 s3, s2  }
0x8d: {  	s2 =	sadd.s32 s2, s14  }
0x8e: {  	[smem:$0x3FC7] =	sst s2  }
0x8f: {  	_ = 	snop  }
0x90: {  	s2 =	sld [smem:$0x3FD0];
	_ =	sdelay $0x2  }
0x91: {  	s15 =	simm.s32 $0xA;
	s4 =	simm.s32 $0x10  }
0x92: {  	[smem:s4], [sflag:s15] =	dma.local [hbm:s2], $0x1  }
0x93: {  	_ =	swait.eq [sflag:s15], $0x1  }
0x94: {  	s16 =	sld [smem:$0x10]  }
0x95: {  	s17 =	sld [smem:$0x11]  }
0x96: {  	s5 =	sld [smem:$0x12]  }
0x97: {  	s6 =	sld [smem:$0x13];
	[sflag:s15] =	ssyncset.done $0x0  }
0x98: {  	s7 =	sld [smem:$0x14];
	[sflag:s15] =	ssyncadd.s32 $0xFFFFFFFF  }
0x99: {  	s18 =	sld [smem:$0x15];
	(tm) =	ssettm $0x1  }
0x9a: {  	s8 =	sld [smem:$0x3FFB];
	_ =	sdelay $0x3  }
0x9b: {  	_ =	strace s8  }
0x9c: {  	s8 =	sld [smem:$0x3FFC];
	_ =	sdelay $0x3  }
0x9d: {  	_ =	strace s8  }
0x9e: {  	s8 =	sld [smem:$0x3FFD];
	_ =	sdelay $0x3  }
0x9f: {  	_ =	strace s8  }
0xa0: {  	_ =	strace $0x8FFFFFFF  }
0xa1: {  	s19 =	sld [smem:$0x3FDB];
	_ =	sdelay $0x1  }
0xa2: {  	s9 =	simm.s32 $_scs_section_size  }
0xa3: {  	s10 =	simm.s32 $_size__tile_overlayer_lowered;
	s11 =	simm.s32 $_tile_overlayer_lowered  }
0xa4: {  	s22 =	simm.s32 $0x1BFF;
	s21 =	sshll.u32 s11, $0x1;
	s8 =	sadd.s32 s9, s19  }
0xa5: {  	s12 =	simm.s32 $0x0;
	s20 =	sshll.u32 s10, $0x1;
	s10 =	sadd.s32 s21, s8  }
0xa6: {  	[timem:s12], [sflag:s22] =	dma.local [hbm:s10], s20  }
0xa7: {  	_ =	swait.ge [sflag:s22], s20  }
0xa8: {  	s9 =	ssub.s32 $0x0, s20;
	[sflag:s22] =	ssyncset.done $0x0  }
0xa9: {  	[sflag:s22] =	ssyncadd.s32 s9;
	_ =	sdelay $0x1  }
0xaa: {  	s23 =	simm.s32 $0x1B8B  }
0xab: {  	_ =	swait.ge [sflag:s23], $0x1  }
0xac: {  	[sflag:s23] =	ssyncset.done $0x0  }
0xad: {  	s25 =	simm.s32 $0x1B8E;
	s24 =	sld [smem:$0x3FFE];
	[sflag:s23] =	ssyncadd.s32 $0xFFFFFFFF  }
0xae: {  	s26 =	simm.s32 $execute0_lowered;
	[smem:$0x3FD2] =	sst s25  }
0xaf: {  	s10 =	sshll.u32 s26, $0x1;
	_ =	strace $0x80000046;
	[dreg:$0x1] =	wrdreg $0xFFFFFFFF  }
0xb0: {  	s28 =	simm.s32 $_size_execute0_lowered;
	s8 =	sadd.s32 s8, s10;
	[dreg:$0x0] =	wrdreg $0x0  }
0xb1: {  	s10 =	sshll.u32 s28, $0x1;
	[dreg:$0x2] =	wrdreg s8  }
0xb2: {  	[dreg:$0x3] =	wrdreg s10  }
0xb3: {  	[dreg:$0x4] =	wrdreg $0xC0  }
0xb4: {  	_ =	task [dreg:s12], $0x5FFFF  }
0xb5: {  	[dreg:$0x1] =	wrdreg $0xFFFFFFFF  }
0xb6: {  	[dreg:$0x0] =	wrdreg $0x60  }
0xb7: {  	[dreg:$0x2] =	wrdreg s24  }
0xb8: {  	[dreg:$0x3] =	wrdreg s16  }
0xb9: {  	[dreg:$0x4] =	wrdreg s17  }
0xba: {  	[dreg:$0x5] =	wrdreg s5  }
0xbb: {  	[dreg:$0x6] =	wrdreg s6  }
0xbc: {  	[dreg:$0x7] =	wrdreg s7  }
0xbd: {  	[dreg:$0x8] =	wrdreg s18  }
0xbe: {  	[dreg:$0x9] =	wrdreg $0x9  }
0xbf: {  	_ =	task.clear_ibuf [dreg:s12], $0xAFFFF;
	_ =	strace $0x90000046  }
0xc0: {  	s29 =	simm.s32 $0x9;
	_ =	strace $0x80000048  }
0xc1: {  	_ =	swait.ge [sflag:s29], $0x1  }
0xc2: {  	[sflag:s29] =	ssyncadd.s32 $0xFFFFFFFF  }
0xc3: {  	_ =	strace $0x90000048  }
0xc4: {  	_ =	sfence  }
0xc5: {  	s30 =	sld [smem:$0x0];
	_ =	sdelay $0x2  }
0xc6: {  	s31 =	sshll.u32 s1, $0xD;
	s1 =	sshrl.u32 s1, $0x2  }
0xc7: {  	s3 =	sand.u32 $0x4000, s31;
	s1 =	sadd.s32 s1, s30  }
0xc8: {  	s0 =	sor.u32 s3, s0;
	s1 =	sshll.u32 s1, $0x11  }
0xc9: {  	s0 =	sor.u32 s1, s0  }
0xca: {  	s0 =	sadd.s32 $0x8F2B, s0  }
0xcb: {  	[sflag:s0] =	ssyncadd.remote.s32 $0x1  }
0xcc: {  	_ =	sfence.sel $0xFFFF  }
0xcd: {  	[dreg:$0x0] =	wrdreg $0xFFFFFFFF;
	(pc) =	sbr.abs _section_cstart, $3  }
0xce: {  	[dreg:$0x1] =	wrdreg $0xFFFFFFFF  }
0xcf: {  	_ =	task.clear_ibuf [dreg:s12], $0x2FFFF;
	_ =	strace $0x9FFFFFFF  }
0xd0: {  	(tm) =	ssettm $0x7FFFFFFF  }
0xd1: {  	_ =	shalt  }
tec
execute0_lowered:
.L_overlay_start_1:
0x0: {  	(tag) =	ssettag $0x1  }
0x1: {  	s0 =	rddreg [dreg:$0x0]  }
0x2: {  	s1 =	rddreg [dreg:$0x1]  }
0x3: {  	s8 =	rddreg [dreg:$0x2]  }
0x4: {  	s9 =	rddreg [dreg:$0x3]  }
0x5: {  	s2 =	srdreg.scid;
	s4 =	stileid.u32  }
0x6: {  	s10 =	rddreg [dreg:$0x4];
	s3 =	sand.u32 $0x1, s2;
	s30 =	sshll.u32 s4, $0x1  }
0x7: {  	s11 =	rddreg [dreg:$0x5];
	s2 =	sor.u32 s3, s30  }
0x8: {  	s12 =	rddreg [dreg:$0x6];
	s31 =	smul.u32 $0x280, s2  }
0x9: {  	s17 =	simm.s32 $0x1;
	s24 =	simm.s32 $0x0;
	s3 =	ssub.s32 $0x2, s3  }
0xa: {  	s2 =	simm.s32 $0x0;
	s5 =	sshrl.u32 s3, $0x1;
	s4 =	smin.u32 s31, $0x4BA0  }
0xb: {  	[smem:$0x7FF] =	sst s2;
	s14 =	ssub.s32 s3, s5;
	s13 =	sshrl.u32 s4, $0x3  }
0xc: {  	_ =	strace $0x80000047;
	s3 =	sadd.s32 s0, s13;
	s7 =	sadd.s32 s1, s13  }
0xd: {  	s8 =	sadd.s32 s8, s13;
	s9 =	sadd.s32 s9, s13;
	s10 =	sadd.s32 s10, s13  }
0xe: {  	s11 =	sadd.s32 s11, s13;
	s12 =	sadd.s32 s12, s13;
	s13 =	smax.u32 s14, $0x1  }
0xf: {  	s4 =	sadd.s32 $0x1E00, s3;
	s5 =	sadd.s32 $0x1400, s3;
	s6 =	sadd.s32 $0xA00, s3  }
.LBB2_1:
0x10: {  	[tilespmem:s2], [sflag:$0x1] =	stream.linear.gather [hbm4b:s4+s2], $0x280, $0x38;
	[tilespmem:$0x1900] =	vst v63  }
0x11: {  	s0 =	simm.s32 $0x280  }
0x12: {  	[tilespmem:s0], [sflag:$0x1] =	stream.linear.gather [hbm4b:s5+s2], $0x280, $0x38;
	[tilespmem:$0x1900] =	vst v63  }
0x13: {  	s21 =	simm.s32 $0x500  }
0x14: {  	[tilespmem:s21], [sflag:$0x1] =	stream.linear.gather [hbm4b:s6+s2], $0x280, $0x38;
	[tilespmem:$0x1900] =	vst v63  }
0x15: {  	s22 =	simm.s32 $0x780  }
0x16: {  	[tilespmem:s22], [sflag:$0x1] =	stream.linear.gather [hbm4b:s3+s2], $0x280, $0x38;
	[tilespmem:$0x1900] =	vst v63  }
0x17: {  	_ =	swait.ge [sflag:s17], $0x280  }
0x18: {  	[sflag:s17] =	ssyncset.done $0x0  }
0x19: {  	[sflag:s17] =	ssyncadd.s32 $0xFFFFFD80  }
0x1a: {  	_ =	swait.ge [sflag:s17], $0x280  }
0x1b: {  	[sflag:s17] =	ssyncset.done $0x0  }
0x1c: {  	[sflag:s17] =	ssyncadd.s32 $0xFFFFFD80  }
0x1d: {  	_ =	swait.ge [sflag:s17], $0x280  }
0x1e: {  	[sflag:s17] =	ssyncset.done $0x0  }
0x1f: {  	[sflag:s17] =	ssyncadd.s32 $0xFFFFFD80  }
0x20: {  	_ =	swait.ge [sflag:s17], $0x280  }
0x21: {  	[sflag:s17] =	ssyncset.done $0x0  }
0x22: {  	s23 =	simm.s32 $0x520;
	[sflag:s17] =	ssyncadd.s32 $0xFFFFFD80  }
0x23: {  	s1 =	simm.s32 $0x7A0;
	v0 =	vld [tilespmem:s23+$0x0]  }
0x24: {  	v1 =	vld [tilespmem:s1+$0xFFFFFFE0]  }
0x25: {  	v2 =	vld [tilespmem:s1+$0xFFFFFFF0]  }
0x26: {  	v3 =	vld [tilespmem:s1+$0x0]  }
0x27: {  	v4 =	vld [tilespmem:s23+$0xFFFFFFE0]  }
0x28: {  	v5 =	vld [tilespmem:s23+$0xFFFFFFF0]  }
0x29: {  	v6 =	vld [tilespmem:s1+$0x10]  }
0x2a: {  	v8 =	vld [tilespmem:s23+$0x10];
	_ =	sdelay $0x1  }
0x2b: {  	v0 =	vmul.f32 $1.500000000e+00, v0;
	v1 =	vmul.f32 $1.500000000e+00, v1  }
0x2c: {  	v2 =	vmul.f32 $1.500000000e+00, v2;
	v3 =	vmul.f32 $1.500000000e+00, v3  }
0x2d: {  	v4 =	vmul.f32 $1.500000000e+00, v4;
	v5 =	vmul.f32 $1.500000000e+00, v5  }
0x2e: {  	v6 =	vmul.f32 $1.500000000e+00, v6;
	v8 =	vmul.f32 $1.500000000e+00, v8  }
0x2f: {  	v7 =	vtrunc.f32 v0;
	v9 =	vtrunc.f32 v2  }
0x30: {  	v10 =	vtrunc.f32 v4;
	v7 =	vcvt.f32.s32 v7  }
0x31: {  	v11 =	vtrunc.f32 v5;
	v13 =	vtrunc.f32 v1  }
0x32: {  	v14 =	vtrunc.f32 v6;
	v7 =	vcvt.s32.f32 v7  }
0x33: {  	v15 =	vtrunc.f32 v8;
	v16 =	vtrunc.f32 v3  }
0x34: {  	s25 =	simm.s32 $0x20;
	v9 =	vcvt.f32.s32 v9;
	v15 =	vcvt.f32.s32 v15;
	v12 =	vadd.f32 $1.000000000e+00, v7  }
0x35: {  	vm0 =	vgt.f32 v0, v7;
	v0 =	vcvt.f32.s32 v10;
	v10 =	vcvt.f32.s32 v11;
	v11 =	vld [tilespmem:s25+$0x0]  }
0x36: {  	v13 =	vcvt.f32.s32 v13;
	v9 =	vcvt.s32.f32 v9  }
0x37: {  	v14 =	vcvt.f32.s32 v14;
	v7 =	vsel vm0, v12, v7;
	v10 =	vcvt.s32.f32 v10  }
0x38: {  	v13 =	vcvt.s32.f32 v13;
	v19 =	vadd.f32 $1.000000000e+00, v9;
	v12 =	vmul.f32 $5.000000000e-01, v7  }
0x39: {  	s26 =	simm.s32 $0x2A0;
	vm0 =	vgt.f32 v5, v10;
	v5 =	vcvt.f32.s32 v16;
	v16 =	vld [tilespmem:s25+$0xFFFFFFF0];
	v17 =	vadd.f32 $1.000000000e+00, v10  }
0x3a: {  	v18 =	vld [tilespmem:s26+$0xFFFFFFF0];
	vm2 =	vgt.f32 v1, v13;
	v0 =	vcvt.s32.f32 v0;
	v11 =	vsub.f32 v11, v12  }
0x3b: {  	v12 =	vcvt.s32.f32 v15;
	v10 =	vsel vm0, v17, v10;
	vm0 =	vgt.f32 v2, v9  }
0x3c: {  	v2 =	vcvt.s32.f32 v14;
	v9 =	vsel vm0, v19, v9;
	v14 =	vmul.f32 $5.000000000e-01, v10  }
0x3d: {  	v5 =	vcvt.s32.f32 v5;
	v15 =	vadd.f32 $1.000000000e+00, v12;
	v17 =	vmul.f32 $5.000000000e-01, v9  }
0x3e: {  	v20 =	vld [tilespmem:s26+$0x0];
	v43 =	vadd.f32 $1.000000000e+00, v2;
	vm0 =	vgt.f32 v6, v2;
	v14 =	vsub.f32 v16, v14  }
0x3f: {  	vm1 =	vgt.f32 v3, v5;
	v16 =	vld [tilespmem:s26+$0x10];
	v6 =	vsub.f32 v18, v17;
	v17 =	vadd.f32 $1.000000000e+00, v5  }
0x40: {  	v45 =	vld [tilespmem:s25+$0x10];
	v44 =	vsel vm0, v43, v2;
	vm0 =	vgt.f32 v8, v12;
	v2 =	vtrunc.f32 v14  }
0x41: {  	v8 =	vmul.f32 $5.000000000e-01, v44;
	v2 =	vcvt.f32.s32 v2;
	v5 =	vsel vm1, v17, v5  }
0x42: {  	v12 =	vsel vm0, v15, v12;
	v3 =	vtrunc.f32 v6;
	v15 =	vmul.f32 $5.000000000e-01, v5  }
0x43: {  	v17 =	vmul.f32 $5.000000000e-01, v12;
	vm1 =	vgt.f32 v4, v0;
	v2 =	vcvt.s32.f32 v2  }
0x44: {  	v3 =	vcvt.f32.s32 v3;
	v8 =	vsub.f32 v16, v8;
	v4 =	vsub.f32 v20, v15  }
0x45: {  	v15 =	vsub.f32 v45, v17;
	vm0 =	vlt.f32 v14, v2;
	v14 =	vadd.f32 $-1.000000000e+00, v2  }
0x46: {  	v16 =	vadd.f32 $1.000000000e+00, v13;
	v3 =	vcvt.s32.f32 v3;
	v21 =	vtrunc.f32 v8  }
0x47: {  	v17 =	vtrunc.f32 v15;
	v20 =	vtrunc.f32 v4;
	v1 =	vsel vm0, v14, v2  }
0x48: {  	v24 =	vadd.f32 $-1.000000000e+00, v3;
	vm3 =	vlt.f32 v6, v3;
	vm0 =	vlt.f32 v1, $0.0e+00  }
0x49: {  	v2 =	vcvt.f32.s32 v21;
	v14 =	vadd.f32 $1.000000000e+00, v0;
	v46 =	vnsel vm0, $0x80000000, v1  }
0x4a: {  	v17 =	vcvt.f32.s32 v17;
	v1 =	vsel vm0, $0x0, v1;
	v10 =	vadd.f32 v46, v10  }
0x4b: {  	v47 =	vld [tilespmem:s25+$0xFFFFFFE0];
	v48 =	vcvt.f32.s32 v20;
	v14 =	vsel vm1, v14, v0;
	v0 =	vsub.f32 $5.120000000e+02, v1  }
0x4c: {  	v2 =	vcvt.s32.f32 v2;
	v17 =	vcvt.s32.f32 v17;
	v10 =	vmax.f32 v10, $3.000000000e+00  }
0x4d: {  	v3 =	vsel vm3, v24, v3;
	v49 =	vmul.f32 $5.000000000e-01, v14;
	vm0 =	vlt.f32 v10, v0  }
0x4e: {  	v22 =	vadd.f32 $-1.000000000e+00, v2;
	v50 =	vadd.f32 $-1.000000000e+00, v17;
	v0 =	vsel vm0, v10, v0  }
0x4f: {  	v10 =	vcvt.s32.f32 v48;
	vm0 =	vlt.f32 v8, v2;
	v8 =	vsel vm2, v16, v13  }
0x50: {  	v23 =	vld [tilespmem:s26+$0xFFFFFFE0];
	v13 =	vsub.f32 v47, v49;
	vm1 =	vlt.f32 v0, $3.000000000e+00;
	v51 =	vsel vm0, v22, v2  }
0x51: {  	v0 =	vsel vm1, $0x40400000, v0;
	v16 =	vsel vm1, $0x43FE8000, v1;
	vm1 =	vlt.f32 v15, v17  }
0x52: {  	v1 =	vtrunc.f32 v13;
	v15 =	vmul.f32 $5.000000000e-01, v8;
	v19 =	vadd.f32 $-1.000000000e+00, v10  }
0x53: {  	vm2 =	vlt.f32 v4, v10;
	v4 =	vtrunc.f32 v11;
	v1 =	vcvt.f32.s32 v1  }
0x54: {  	v4 =	vcvt.f32.s32 v4;
	v17 =	vsel vm1, v50, v17;
	v10 =	vsel vm2, v19, v10  }
0x55: {  	v15 =	vsub.f32 v23, v15;
	vm1 =	vlt.f32 v17, $0.0e+00;
	vm0 =	vlt.f32 v10, $0.0e+00  }
0x56: {  	v4 =	vcvt.s32.f32 v4;
	v55 =	vnsel vm1, $0x80000000, v17;
	v56 =	vcvt.s32.f32 v1  }
0x57: {  	v6 =	vsel vm1, $0x0, v17;
	vm1 =	vlt.f32 v3, $0.0e+00;
	v2 =	vtrunc.f32 v15  }
0x58: {  	v52 =	vnsel vm0, $0x80000000, v10;
	v10 =	vsel vm0, $0x0, v10;
	vm0 =	vlt.f32 v51, $0.0e+00  }
0x59: {  	v17 =	vnsel vm1, $0x80000000, v3;
	v12 =	vadd.f32 v55, v12;
	v5 =	vadd.f32 v52, v5  }
0x5a: {  	v58 =	vsel vm1, $0x0, v3;
	v53 =	vadd.f32 $-1.000000000e+00, v4;
	v54 =	vsub.f32 $5.120000000e+02, v10  }
0x5b: {  	vm2 =	vlt.f32 v11, v4;
	v1 =	vsel vm0, $0x0, v51;
	v3 =	vcvt.f32.s32 v2  }
0x5c: {  	v57 =	vadd.f32 $-1.000000000e+00, v56;
	v59 =	vsub.f32 $5.120000000e+02, v58;
	v4 =	vsel vm2, v53, v4  }
0x5d: {  	v5 =	vmax.f32 v5, $3.000000000e+00;
	v3 =	vcvt.s32.f32 v3;
	vm2 =	vlt.f32 v4, $0.0e+00  }
0x5e: {  	vm3 =	vlt.f32 v5, v54;
	v11 =	vnsel vm2, $0x80000000, v4;
	v4 =	vsel vm2, $0x0, v4  }
0x5f: {  	vm2 =	vlt.f32 v13, v56;
	v5 =	vsel vm3, v5, v54;
	v7 =	vadd.f32 v11, v7  }
0x60: {  	v13 =	vsub.f32 $5.120000000e+02, v6;
	v11 =	vsub.f32 $5.120000000e+02, v4;
	vm3 =	vlt.f32 v5, $3.000000000e+00  }
0x61: {  	vm4 =	vlt.f32 v15, v3;
	v21 =	vsel vm3, $0x40400000, v5;
	v7 =	vmax.f32 v7, $3.000000000e+00  }
0x62: {  	v5 =	vnsel vm0, $0x80000000, v51;
	v10 =	vsel vm3, $0x43FE8000, v10;
	vm1 =	vlt.f32 v7, v11  }
0x63: {  	v5 =	vadd.f32 v5, v44;
	v2 =	vsel vm1, v7, v11;
	v7 =	vadd.f32 v17, v9  }
0x64: {  	v9 =	vmax.f32 v12, $3.000000000e+00;
	v17 =	vsub.f32 $5.120000000e+02, v1;
	vm1 =	vlt.f32 v2, $3.000000000e+00  }
0x65: {  	v5 =	vmax.f32 v5, $3.000000000e+00;
	v11 =	vsel vm1, $0x40400000, v2;
	v12 =	vsel vm1, $0x43FE8000, v4  }
0x66: {  	vm1 =	vlt.f32 v9, v13;
	v4 =	vmax.f32 v7, $3.000000000e+00;
	(erf) = vrcp.f32 v11  }
0x67: {  	v7 =	vsel vm2, v57, v56;
	vm0 =	vlt.f32 v5, v17;
	v2 =	vmul.f32 $2.560000000e+02, v11  }
0x68: {  	v9 =	vsel vm1, v9, v13;
	vm2 =	vlt.f32 v7, $0.0e+00;
	v13 =	vadd.f32 $-1.000000000e+00, v3  }
0x69: {  	vm5 =	vlt.f32 v4, v59;
	vm1 =	vlt.f32 v9, $3.000000000e+00;
	(erf) = vrcp.f32 v21  }
0x6a: {  	s29 =	simm.s32 $0xA20;
	v15 =	vsel vm5, v4, v59;
	v4 =	vsel vm1, $0x40400000, v9;
	(erf) = vrcp.f32 v0  }
0x6b: {  	s25 =	simm.s32 $0xCA0;
	[tilespmem:s29+$0x0] =	vst v12;
	v60 =	vnsel vm2, $0x80000000, v7;
	v13 =	vsel vm4, v13, v3;
	(erf) = vrcp.f32 v4  }
0x6c: {  	[tilespmem:s25+$0x0] =	vst v10;
	v62 =	vsel vm2, $0x0, v7;
	v10 =	vsel vm0, v5, v17;
	vm3 =	vlt.f32 v13, $0.0e+00  }
0x6d: {  	v9 =	vmul.f32 $2.560000000e+02, v21;
	v12 =	vadd.f32 v60, v14;
	v14 =	vnsel vm3, $0x80000000, v13  }
0x6e: {  	vm0 =	vlt.f32 v10, $3.000000000e+00;
	v6 =	vsel vm1, $0x43FE8000, v6;
	v8 =	vadd.f32 v14, v8  }
0x6f: {  	s26 =	simm.s32 $0xF20;
	[tilespmem:s29+$0xFFFFFFF0] =	vst v16;
	vm1 =	vlt.f32 v15, $3.000000000e+00;
	v12 =	vmax.f32 v12, $3.000000000e+00;
	v14 =	vsub.f32 $5.120000000e+02, v62;
	v61 =	vpop (erf)  }
0x70: {  	s28 =	simm.s32 $0x11A0;
	[tilespmem:s26+$0x0] =	vst v11;
	v11 =	vmax.f32 v8, $3.000000000e+00;
	v8 =	vsel vm1, $0x43FE8000, v58;
	v9 =	vmul.f32 v9, v61  }
0x71: {  	s14 =	simm.s32 $0x0;
	[tilespmem:s28+$0x0] =	vst v21;
	v16 =	vsel vm1, $0x40400000, v15;
	v7 =	vsel vm3, $0x0, v13;
	vm2 =	vlt.f32 v12, v14  }
0x72: {  	s15 =	simm.s32 $0x2E0;
	s16 =	simm.s32 $0x60;
	s18 =	simm.s32 $0xF60;
	[tilespmem:s29+$0x10] =	vst v6;
	v6 =	vsel vm2, v12, v14;
	v13 =	vpop (erf);
	v5 =	vmax.f32 v9, $2.560000000e+02;
	v9 =	vsel vm0, $0x40400000, v10  }
0x73: {  	s19 =	simm.s32 $0xCE0;
	s20 =	simm.s32 $0xA60;
	s31 =	simm.s32 $0x16A0;
	[tilespmem:s25+$0xFFFFFFF0] =	vst v8;
	(erf) = vrcp.f32 v16;
	vm1 =	vlt.f32 v6, $3.000000000e+00;
	v8 =	vpop (erf);
	v17 =	vmul.f32 $2.560000000e+02, v9  }
0x74: {  	s30 =	simm.s32 $0x1420;
	s0 =	simm.s32 $0x1420;
	s21 =	simm.s32 $0x11E0;
	v3 =	vmul.f32 $2.560000000e+02, v4;
	v14 =	vsub.f32 $5.120000000e+02, v7;
	[tilespmem:s26+$0xFFFFFFF0] =	vst v0;
	v12 =	vsel vm1, $0x40400000, v6;
	v63 =	vpop (erf)  }
0x75: {  	s22 =	simm.s32 $0x7E0;
	s1 =	simm.s32 $0x16A0;
	s23 =	simm.s32 $0x560;
	v15 =	vsel vm1, $0x43FE8000, v62;
	[tilespmem:s28+$0xFFFFFFF0] =	vst v16;
	v10 =	vmul.f32 $2.560000000e+02, v16;
	v6 =	vmul.f32 v17, v63  }
.LBB2_2:
0x76: {  	v16 =	vld [tilespmem:s22+$0xFFFFFFE0];
	s14 =	sadd.s32 $0x40, s14;
	vm1 =	vlt.f32 v11, v14;
	[tilespmem:s29+$0xFFFFFFE0] =	vst v15;
	v1 =	vsel vm0, $0x43FE8000, v1;
	s1 =	sadd.s32 $0x40, s1;
	s0 =	sadd.s32 $0x40, s0;
	(erf) = vrcp.f32 v9  }
0x77: {  	v2 =	vmul.f32 v13, v2;
	s29 =	smov.u32 s20;
	v15 =	vld [tilespmem:s23+$0x0];
	p0 =	slt.u32 s14, $0x240;
	v11 =	vsel vm1, v11, v14;
	v14 =	vmul.f32 $2.560000000e+02, v12;
	[tilespmem:s25+$0x10] =	vst v1  }
0x78: {  	v1 =	vld [tilespmem:s22+$0xFFFFFFF0];
	vm0 =	vlt.f32 v11, $3.000000000e+00;
	[tilespmem:s26+$0x10] =	vst v4  }
0x79: {  	v2 =	vmax.f32 v2, $2.560000000e+02;
	v4 =	vld [tilespmem:s22+$0x0];
	v11 =	vsel vm0, $0x40400000, v11;
	v7 =	vsel vm0, $0x43FE8000, v7;
	[tilespmem:s28+$0x10] =	vst v9  }
0x7a: {  	v13 =	vmul.f32 $2.560000000e+02, v0;
	v9 =	vld [tilespmem:s23+$0xFFFFFFF0];
	[tilespmem:s30+$0x0] =	vst v2;
	(erf) = vrcp.f32 v11  }
0x7b: {  	v2 =	vld [tilespmem:s23+$0xFFFFFFE0];
	v0 =	vmul.f32 $1.500000000e+00, v16;
	[tilespmem:s25+$0xFFFFFFE0] =	vst v7;
	(erf) = vrcp.f32 v12;
	s25 =	smov.u32 s19  }
0x7c: {  	v8 =	vmul.f32 v10, v8;
	v16 =	vmul.f32 $2.560000000e+02, v11;
	v7 =	vld [tilespmem:s22+$0x10];
	[tilespmem:s31+$0x0] =	vst v5;
	v5 =	vpop (erf)  }
0x7d: {  	v10 =	vmul.f32 $1.500000000e+00, v1;
	[tilespmem:s26+$0xFFFFFFE0] =	vst v12;
	v1 =	vmul.f32 v5, v13;
	s26 =	smov.u32 s18  }
0x7e: {  	v5 =	vmul.f32 $1.500000000e+00, v15;
	v12 =	vmul.f32 $1.500000000e+00, v4;
	v4 =	vld [tilespmem:s23+$0x10];
	[tilespmem:s28+$0xFFFFFFE0] =	vst v11;
	s28 =	smov.u32 s21  }
0x7f: {  	v9 =	vmul.f32 $1.500000000e+00, v9;
	v11 =	vtrunc.f32 v10;
	v1 =	vmax.f32 v1, $2.560000000e+02;
	v13 =	vpop (erf)  }
0x80: {  	v15 =	vmul.f32 $1.500000000e+00, v2;
	v2 =	vtrunc.f32 v5  }
0x81: {  	v20 =	vmul.f32 v13, v3;
	v2 =	vcvt.f32.s32 v2;
	[tilespmem:s30+$0xFFFFFFF0] =	vst v1  }
0x82: {  	v6 =	vmax.f32 v6, $2.560000000e+02;
	v7 =	vmul.f32 $1.500000000e+00, v7;
	v3 =	vtrunc.f32 v15  }
0x83: {  	v13 =	vtrunc.f32 v9;
	v19 =	vmax.f32 v20, $2.560000000e+02;
	v2 =	vcvt.s32.f32 v2;
	v17 =	vpop (erf)  }
0x84: {  	v8 =	vmax.f32 v8, $2.560000000e+02;
	v18 =	vtrunc.f32 v0;
	v14 =	vmul.f32 v17, v14;
	[tilespmem:s30+$0x10] =	vst v19;
	v1 =	vpop (erf)  }
0x85: {  	vm0 =	vgt.f32 v5, v2;
	v5 =	vadd.f32 $1.000000000e+00, v2;
	v1 =	vmul.f32 v16, v1;
	[tilespmem:s31+$0x10] =	vst v6  }
0x86: {  	v6 =	vcvt.f32.s32 v3;
	v16 =	vmul.f32 $1.500000000e+00, v4;
	v3 =	vld [tilespmem:s16+$0xFFFFFFF0];
	v4 =	vmax.f32 v14, $2.560000000e+02  }
0x87: {  	v11 =	vcvt.f32.s32 v11;
	v13 =	vcvt.f32.s32 v13;
	v2 =	vsel vm0, v5, v2;
	[tilespmem:s31+$0xFFFFFFF0] =	vst v8  }
0x88: {  	v14 =	vtrunc.f32 v7;
	v5 =	vld [tilespmem:s16+$0x0];
	v8 =	vmul.f32 $5.000000000e-01, v2  }
0x89: {  	v13 =	vcvt.s32.f32 v13;
	v17 =	vtrunc.f32 v16;
	v1 =	vmax.f32 v1, $2.560000000e+02;
	[tilespmem:s30+$0xFFFFFFE0] =	vst v4;
	s30 =	smov.u32 s0  }
0x8a: {  	v4 =	vcvt.s32.f32 v11;
	v11 =	vtrunc.f32 v12;
	[tilespmem:s31+$0xFFFFFFE0] =	vst v1;
	s31 =	smov.u32 s1  }
0x8b: {  	vm0 =	vgt.f32 v9, v13;
	v9 =	vcvt.f32.s32 v11;
	v11 =	vcvt.f32.s32 v17  }
0x8c: {  	v14 =	vcvt.f32.s32 v14;
	v17 =	vcvt.f32.s32 v18;
	v18 =	vadd.f32 $1.000000000e+00, v13  }
0x8d: {  	v20 =	vadd.f32 $1.000000000e+00, v4;
	v19 =	vld [tilespmem:s15+$0xFFFFFFF0];
	v1 =	vsub.f32 v5, v8;
	v5 =	vcvt.s32.f32 v11  }
0x8e: {  	v8 =	vsel vm0, v18, v13;
	vm0 =	vgt.f32 v10, v4;
	v10 =	vcvt.s32.f32 v14  }
0x8f: {  	v4 =	vsel vm0, v20, v4;
	v11 =	vmul.f32 $5.000000000e-01, v8;
	v13 =	vadd.f32 $1.000000000e+00, v5  }
0x90: {  	v9 =	vcvt.s32.f32 v9;
	v14 =	vmul.f32 $5.000000000e-01, v4;
	v18 =	vadd.f32 $1.000000000e+00, v10  }
0x91: {  	v17 =	vcvt.s32.f32 v17;
	vm0 =	vgt.f32 v7, v10;
	v11 =	vsub.f32 v3, v11;
	v20 =	vld [tilespmem:s15+$0x10]  }
0x92: {  	v7 =	vadd.f32 $1.000000000e+00, v9;
	v3 =	vsel vm0, v18, v10;
	v14 =	vsub.f32 v19, v14  }
0x93: {  	vm0 =	vgt.f32 v16, v5;
	v10 =	vtrunc.f32 v11;
	v16 =	vmul.f32 $5.000000000e-01, v3;
	v18 =	vld [tilespmem:s16+$0x10]  }
0x94: {  	vm1 =	vgt.f32 v12, v9;
	v10 =	vcvt.f32.s32 v10;
	v19 =	vtrunc.f32 v14;
	v21 =	vld [tilespmem:s15+$0x0]  }
0x95: {  	v12 =	vadd.f32 $1.000000000e+00, v17;
	v9 =	vsel vm1, v7, v9;
	v13 =	vsel vm0, v13, v5  }
0x96: {  	v7 =	vmul.f32 $5.000000000e-01, v9;
	v5 =	vcvt.s32.f32 v10;
	v10 =	vsub.f32 v20, v16  }
0x97: {  	v6 =	vcvt.s32.f32 v6;
	v16 =	vmul.f32 $5.000000000e-01, v13  }
0x98: {  	vm1 =	vlt.f32 v11, v5;
	v11 =	vadd.f32 $-1.000000000e+00, v5;
	v20 =	vtrunc.f32 v10  }
0x99: {  	vm2 =	vgt.f32 v15, v6;
	v16 =	vsub.f32 v18, v16;
	v15 =	vsub.f32 v21, v7  }
0x9a: {  	vm0 =	vgt.f32 v0, v17;
	v0 =	vsel vm1, v11, v5;
	v5 =	vcvt.f32.s32 v20  }
0x9b: {  	v7 =	vadd.f32 $1.000000000e+00, v6;
	vm1 =	vlt.f32 v0, $0.0e+00;
	v11 =	vtrunc.f32 v16  }
0x9c: {  	v18 =	vnsel vm1, $0x80000000, v0;
	v20 =	vsel vm1, $0x0, v0;
	v0 =	vtrunc.f32 v15  }
0x9d: {  	v11 =	vcvt.f32.s32 v11;
	v8 =	vadd.f32 v18, v8;
	v18 =	vcvt.s32.f32 v5;
	v21 =	vld [tilespmem:s16+$0xFFFFFFE0]  }
0x9e: {  	v19 =	vcvt.f32.s32 v19;
	v5 =	vsel vm2, v7, v6;
	v6 =	vsub.f32 $5.120000000e+02, v20  }
0x9f: {  	v0 =	vcvt.f32.s32 v0;
	v7 =	vmax.f32 v8, $3.000000000e+00;
	v8 =	vcvt.s32.f32 v11  }
0xa0: {  	v11 =	vmul.f32 $5.000000000e-01, v5;
	v22 =	vadd.f32 $-1.000000000e+00, v18;
	vm1 =	vlt.f32 v7, v6  }
0xa1: {  	v24 =	vcvt.s32.f32 v0;
	v6 =	vsel vm1, v7, v6;
	vm1 =	vlt.f32 v10, v18;
	v23 =	vld [tilespmem:s15+$0xFFFFFFE0]  }
0xa2: {  	v7 =	vsel vm0, v12, v17;
	vm0 =	vlt.f32 v6, $3.000000000e+00;
	v10 =	vsub.f32 v21, v11  }
0xa3: {  	v0 =	vsel vm0, $0x40400000, v6;
	v6 =	vsel vm0, $0x43FE8000, v20;
	vm0 =	vlt.f32 v16, v8  }
0xa4: {  	vm2 =	vlt.f32 v15, v24;
	v12 =	vmul.f32 $5.000000000e-01, v7;
	v11 =	vtrunc.f32 v10  }
0xa5: {  	v15 =	vtrunc.f32 v1;
	v16 =	vadd.f32 $-1.000000000e+00, v24;
	v11 =	vcvt.f32.s32 v11  }
0xa6: {  	v17 =	vcvt.s32.f32 v19;
	v19 =	vadd.f32 $-1.000000000e+00, v8;
	v12 =	vsub.f32 v23, v12  }
0xa7: {  	v15 =	vcvt.f32.s32 v15;
	v18 =	vsel vm1, v22, v18;
	v16 =	vsel vm2, v16, v24  }
0xa8: {  	v8 =	vsel vm0, v19, v8;
	vm1 =	vlt.f32 v16, $0.0e+00;
	v20 =	vtrunc.f32 v12  }
0xa9: {  	v15 =	vcvt.s32.f32 v15;
	vm2 =	vlt.f32 v8, $0.0e+00;
	v19 =	vnsel vm1, $0x80000000, v16  }
0xaa: {  	vm0 =	vlt.f32 v18, $0.0e+00;
	v16 =	vsel vm1, $0x0, v16;
	v9 =	vadd.f32 v19, v9  }
0xab: {  	v22 =	vnsel vm2, $0x80000000, v8;
	v19 =	vadd.f32 $-1.000000000e+00, v15;
	v21 =	vsub.f32 $5.120000000e+02, v16  }
0xac: {  	v23 =	vadd.f32 $-1.000000000e+00, v17;
	vm1 =	vlt.f32 v1, v15;
	v11 =	vcvt.s32.f32 v11  }
0xad: {  	vm3 =	vlt.f32 v14, v17;
	v1 =	vsel vm0, $0x0, v18;
	v14 =	vsel vm1, v19, v15  }
0xae: {  	v8 =	vsel vm2, $0x0, v8;
	v15 =	vsel vm3, v23, v17;
	vm1 =	vlt.f32 v14, $0.0e+00  }
0xaf: {  	vm2 =	vlt.f32 v15, $0.0e+00;
	v17 =	vnsel vm1, $0x80000000, v14;
	v14 =	vsel vm1, $0x0, v14  }
0xb0: {  	v9 =	vmax.f32 v9, $3.000000000e+00;
	vm1 =	vlt.f32 v10, v11;
	v2 =	vadd.f32 v17, v2  }
0xb1: {  	vm3 =	vlt.f32 v9, v21;
	v10 =	vsub.f32 $5.120000000e+02, v14;
	v17 =	vsub.f32 $5.120000000e+02, v8  }
0xb2: {  	v13 =	vadd.f32 v22, v13;
	v19 =	vnsel vm2, $0x80000000, v15;
	v2 =	vmax.f32 v2, $3.000000000e+00  }
0xb3: {  	v22 =	vadd.f32 $-1.000000000e+00, v11;
	v15 =	vsel vm2, $0x0, v15;
	vm2 =	vlt.f32 v2, v10  }
0xb4: {  	v20 =	vcvt.f32.s32 v20;
	v9 =	vsel vm3, v9, v21;
	v2 =	vsel vm2, v2, v10  }
0xb5: {  	v4 =	vadd.f32 v19, v4;
	v10 =	vmax.f32 v13, $3.000000000e+00;
	vm2 =	vlt.f32 v2, $3.000000000e+00  }
0xb6: {  	v13 =	vsel vm2, $0x40400000, v2;
	v14 =	vsel vm2, $0x43FE8000, v14;
	vm2 =	vlt.f32 v10, v17  }
0xb7: {  	v2 =	vmul.f32 $2.560000000e+02, v13;
	[tilespmem:s20+$0x0] =	vst v14;
	v14 =	vsub.f32 $5.120000000e+02, v1;
	(erf) = vrcp.f32 v13  }
0xb8: {  	v19 =	vcvt.s32.f32 v20;
	vm3 =	vlt.f32 v9, $3.000000000e+00;
	v4 =	vmax.f32 v4, $3.000000000e+00  }
0xb9: {  	v11 =	vsel vm1, v22, v11;
	v20 =	vsub.f32 $5.120000000e+02, v15;
	v10 =	vsel vm2, v10, v17  }
0xba: {  	v9 =	vsel vm3, $0x40400000, v9;
	vm2 =	vlt.f32 v11, $0.0e+00;
	v17 =	vadd.f32 $-1.000000000e+00, v19  }
0xbb: {  	vm4 =	vlt.f32 v12, v19;
	v12 =	vnsel vm0, $0x80000000, v18;
	vm5 =	vlt.f32 v4, v20  }
0xbc: {  	v3 =	vadd.f32 v12, v3;
	vm1 =	vlt.f32 v10, $3.000000000e+00;
	(erf) = vrcp.f32 v9  }
0xbd: {  	v12 =	vsel vm4, v17, v19;
	v17 =	vsel vm5, v4, v20;
	v4 =	vsel vm1, $0x40400000, v10  }
0xbe: {  	v18 =	vmax.f32 v3, $3.000000000e+00;
	v10 =	vmul.f32 $2.560000000e+02, v9;
	(erf) = vrcp.f32 v0  }
0xbf: {  	v3 =	vsel vm3, $0x43FE8000, v16;
	vm0 =	vlt.f32 v18, v14;
	(erf) = vrcp.f32 v4  }
0xc0: {  	v16 =	vnsel vm2, $0x80000000, v11;
	vm3 =	vlt.f32 v12, $0.0e+00;
	[tilespmem:s19+$0x0] =	vst v3;
	v3 =	vmul.f32 $2.560000000e+02, v4;
	v19 =	vpop (erf)  }
0xc1: {  	v16 =	vadd.f32 v16, v5;
	v5 =	vnsel vm3, $0x80000000, v12;
	v10 =	vmul.f32 v10, v19  }
0xc2: {  	v19 =	vsel vm2, $0x0, v11;
	v11 =	vadd.f32 v5, v7;
	[tilespmem:s18+$0x0] =	vst v13;
	v13 =	vsel vm0, v18, v14  }
0xc3: {  	v7 =	vsel vm3, $0x0, v12;
	v5 =	vmax.f32 v10, $2.560000000e+02;
	vm0 =	vlt.f32 v13, $3.000000000e+00  }
0xc4: {  	v12 =	vsub.f32 $5.120000000e+02, v19;
	v10 =	vmax.f32 v16, $3.000000000e+00;
	[tilespmem:s20+$0xFFFFFFF0] =	vst v6;
	v6 =	vsel vm1, $0x43FE8000, v8  }
.Ltmp0:
0xc5: {  	v11 =	vmax.f32 v11, $3.000000000e+00;
	vm1 =	vlt.f32 v17, $3.000000000e+00;
	[tilespmem:s21+$0x0] =	vst v9;
	v9 =	vsel vm0, $0x40400000, v13;
	v13 =	vpop (erf);
	(pc) =	sbr.rel @p0 .LBB2_2-.Ltmp0, $4  }
0xc6: {  	vm2 =	vlt.f32 v10, v12;
	v16 =	vsel vm1, $0x40400000, v17;
	v14 =	vsel vm1, $0x43FE8000, v15;
	[tilespmem:s20+$0x10] =	vst v6  }
0xc7: {  	s16 =	sadd.s32 $0x40, s16;
	s15 =	sadd.s32 $0x40, s15;
	v6 =	vsel vm2, v10, v12;
	v17 =	vmul.f32 $2.560000000e+02, v9;
	[tilespmem:s19+$0xFFFFFFF0] =	vst v14;
	v8 =	vpop (erf);
	(erf) = vrcp.f32 v16  }
0xc8: {  	s18 =	sadd.s32 $0x40, s18;
	v10 =	vmul.f32 $2.560000000e+02, v16;
	s20 =	sadd.s32 $0x40, s20;
	v14 =	vsub.f32 $5.120000000e+02, v7;
	vm1 =	vlt.f32 v6, $3.000000000e+00;
	s19 =	sadd.s32 $0x40, s19;
	[tilespmem:s26+$0xFFFFFFF0] =	vst v0;
	v18 =	vpop (erf)  }
0xc9: {  	s22 =	sadd.s32 $0x40, s22;
	s23 =	sadd.s32 $0x40, s23;
	s21 =	sadd.s32 $0x40, s21;
	v12 =	vsel vm1, $0x40400000, v6;
	v15 =	vsel vm1, $0x43FE8000, v19;
	[tilespmem:s28+$0xFFFFFFF0] =	vst v16;
	v6 =	vmul.f32 v17, v18  }
0xca: {  	vm1 =	vlt.f32 v11, v14  }
0xcb: {  	v11 =	vsel vm1, v11, v14  }
0xcc: {  	(erf) = vrcp.f32 v9;
	vm1 =	vlt.f32 v11, $3.000000000e+00  }
0xcd: {  	v11 =	vsel vm1, $0x40400000, v11  }
0xce: {  	[tilespmem:s29+$0xFFFFFFE0] =	vst v15;
	v1 =	vsel vm0, $0x43FE8000, v1;
	(erf) = vrcp.f32 v11  }
0xcf: {  	v2 =	vmul.f32 v13, v2;
	[tilespmem:s25+$0x10] =	vst v1;
	(erf) = vrcp.f32 v12  }
0xd0: {  	[tilespmem:s26+$0x10] =	vst v4  }
0xd1: {  	v52 =	vmax.f32 v2, $2.560000000e+02;
	[tilespmem:s28+$0x10] =	vst v9  }
0xd2: {  	v0 =	vmul.f32 $2.560000000e+02, v0;
	v53 =	vsel vm1, $0x43FE8000, v7;
	[tilespmem:s30+$0x0] =	vst v52  }
0xd3: {  	[tilespmem:s25+$0xFFFFFFE0] =	vst v53;
	v54 =	vpop (erf)  }
0xd4: {  	[tilespmem:s31+$0x0] =	vst v5;
	v0 =	vmul.f32 v54, v0  }
0xd5: {  	v58 =	vmul.f32 v10, v8;
	[tilespmem:s26+$0xFFFFFFE0] =	vst v12;
	v55 =	vpop (erf)  }
0xd6: {  	v56 =	vmul.f32 $2.560000000e+02, v12;
	[tilespmem:s28+$0xFFFFFFE0] =	vst v11;
	v0 =	vmax.f32 v0, $2.560000000e+02;
	v1 =	vmul.f32 v55, v3  }
0xd7: {  	v63 =	vmax.f32 v58, $2.560000000e+02;
	v57 =	vmul.f32 $2.560000000e+02, v11;
	[tilespmem:s30+$0xFFFFFFF0] =	vst v0;
	v60 =	vpop (erf)  }
0xd8: {  	[tilespmem:s31+$0xFFFFFFF0] =	vst v63;
	v59 =	vmax.f32 v1, $2.560000000e+02;
	v1 =	vmul.f32 v60, v56;
	v62 =	vpop (erf)  }
0xd9: {  	v61 =	vmax.f32 v6, $2.560000000e+02;
	[tilespmem:s30+$0x10] =	vst v59;
	v0 =	vmul.f32 v57, v62  }
0xda: {  	[tilespmem:s31+$0x10] =	vst v61;
	v1 =	vmax.f32 v1, $2.560000000e+02  }
0xdb: {  	v0 =	vmax.f32 v0, $2.560000000e+02;
	[tilespmem:s30+$0xFFFFFFE0] =	vst v1  }
0xdc: {  	s0 =	simm.s32 $0xA00;
	[tilespmem:s31+$0xFFFFFFE0] =	vst v0  }
0xdd: {  	[hbm4b:s7+s2] =	stream.linear.scatter [tilespmem:s0], [sflag:$0x1], $0x280, $0x38;
	[tilespmem:$0x1900] =	vst v63  }
0xde: {  	s26 =	simm.s32 $0xC80  }
0xdf: {  	[hbm4b:s8+s2] =	stream.linear.scatter [tilespmem:s26], [sflag:$0x1], $0x280, $0x38;
	[tilespmem:$0x1900] =	vst v63  }
0xe0: {  	s28 =	simm.s32 $0xF00  }
0xe1: {  	[hbm4b:s9+s2] =	stream.linear.scatter [tilespmem:s28], [sflag:$0x1], $0x280, $0x38;
	[tilespmem:$0x1900] =	vst v63  }
0xe2: {  	s29 =	simm.s32 $0x1180  }
0xe3: {  	[hbm4b:s10+s2] =	stream.linear.scatter [tilespmem:s29], [sflag:$0x1], $0x280, $0x38;
	[tilespmem:$0x1900] =	vst v63  }
0xe4: {  	s30 =	simm.s32 $0x1400  }
0xe5: {  	[hbm4b:s11+s2] =	stream.linear.scatter [tilespmem:s30], [sflag:$0x1], $0x280, $0x38;
	[tilespmem:$0x1900] =	vst v63  }
0xe6: {  	s31 =	simm.s32 $0x1680  }
0xe7: {  	[hbm4b:s12+s2] =	stream.linear.scatter [tilespmem:s31], [sflag:$0x1], $0x280, $0x38;
	[tilespmem:$0x1900] =	vst v63  }
0xe8: {  	_ =	swait.ge [sflag:s17], $0x280  }
0xe9: {  	[sflag:s17] =	ssyncset.done $0x0  }
0xea: {  	[sflag:s17] =	ssyncadd.s32 $0xFFFFFD80  }
0xeb: {  	_ =	swait.ge [sflag:s17], $0x280  }
0xec: {  	[sflag:s17] =	ssyncset.done $0x0  }
0xed: {  	[sflag:s17] =	ssyncadd.s32 $0xFFFFFD80  }
0xee: {  	_ =	swait.ge [sflag:s17], $0x280  }
0xef: {  	[sflag:s17] =	ssyncset.done $0x0  }
0xf0: {  	[sflag:s17] =	ssyncadd.s32 $0xFFFFFD80  }
0xf1: {  	_ =	swait.ge [sflag:s17], $0x280  }
0xf2: {  	[sflag:s17] =	ssyncset.done $0x0  }
0xf3: {  	s24 =	sadd.s32 $0x1, s24;
	[sflag:s17] =	ssyncadd.s32 $0xFFFFFD80  }
0xf4: {  	p0 =	sne.s32 s24, s13;
	_ =	swait.ge [sflag:s17], $0x280  }
.Ltmp1:
0xf5: {  	[sflag:s17] =	ssyncset.done $0x0;
	(pc) =	sbr.rel @p0 .LBB2_1-.Ltmp1, $4  }
0xf6: {  	[sflag:s17] =	ssyncadd.s32 $0xFFFFFD80  }
0xf7: {  	_ =	swait.ge [sflag:s17], $0x280  }
0xf8: {  	[sflag:s17] =	ssyncset.done $0x0  }
0xf9: {  	[sflag:s17] =	ssyncadd.s32 $0xFFFFFD80  }
0xfa: {  	_ =	sfence.sel $0x180000  }
0xfb: {  	[bflag:$0x0] =	sbarrier.arrive $0xFFFF  }
0xfc: {  	_ =	strace $0x90000047  }
0xfd: {  	s0 =	stileid.u32;
	[bflag:$0x2] =	sbarrier.arrive $0xFFFF  }
0xfe: {  	p0 =	sne.s32 s0, $0x0;
	s0 =	rddreg [dreg:$0x7]  }
0xff: {  	s0 =	sadd.s32 @!p0 $0x100000, s0  }
0x100: {  	[sflag:s0] =	ssyncadd.tile.s32 @!p0 $0x1;
	_ =	shalt  }
.Lfunc_end2:
_tile_overlayer_lowered:
.L_overlay_start_2:
0x101: {  	(tag) =	ssettag $0x2  }
0x102: {  	s0 =	rddreg [dreg:$0x0];
	s2 =	stileid.u32  }
0x103: {  	s1 =	rddreg [dreg:$0x1];
	p0 =	sne.s32 s2, $0x0  }
0x104: {  	s3 =	rddreg [dreg:$0x2];
	[bflag:$0x3] =	sbarrier.arrive $0xFFFF;
	s2 =	simm.s32 @!p0 $0x1C02  }
0x105: {  	[timem:s3], [sflag:s2] =	dma.local @!p0 [hbm:s0], s1  }
0x106: {  	s0 =	simm.s32 @!p0 $0x2  }
0x107: {  	_ =	swait.ge @!p0 [sflag:s0], s1  }
0x108: {  	s1 =	ssub.s32 @!p0 $0x0, s1;
	[sflag:s0] =	ssyncset.done @!p0 $0x0  }
0x109: {  	[sflag:s0] =	ssyncadd.s32 @!p0 s1  }
0x10a: {  	[bflag:$0x3] =	sbarrier.arrive $0xFFFF  }
0x10b: {  	_ =	shalt  }

</sc_bundles>
